<compile_context>
chip_gen: v7x
topology: tpu7x:2x2x1
jax: 0.10.2.dev20260603
libtpu: 0.0.44.dev20260713+nightly
codegen_flags: <defaults>
</compile_context>

<pallas_src>
import jax
import jax.numpy as jnp
from jax import lax
from jax.experimental import pallas as pl
from jax.experimental.pallas import tpu as pltpu
from jax.experimental.pallas import tpu_sc as plsc

N_USER = 5000
N_ITEM = 5000
N_NODES = N_USER + N_ITEM
N_EDGES = 320000
D = 128
ODE_STEPS = 2

NW = 32
CHUNK = 128
CHUNKS_PER_TILE = 79
EDGES_PAD = NW * CHUNKS_PER_TILE * CHUNK
NPAD = 10240
TILES_PER_SC = 16
ROWS_PER_TILE = NPAD // TILES_PER_SC


def _mesh():
  return plsc.VectorSubcoreMesh(core_axis_name="c", subcore_axis_name="s",
                                num_cores=2, num_subcores=TILES_PER_SC)


def _sc_deg_body(dst_hbm, znd_hbm, ones_hbm, deg_out, idx_d, ones_v, deg_sh):
  cid = lax.axis_index("c")
  sid = lax.axis_index("s")
  wid = sid * 2 + cid
  r0 = pl.multiple_of(sid * ROWS_PER_TILE, 8)

  pltpu.sync_copy(dst_hbm.at[wid], idx_d)
  pltpu.sync_copy(ones_hbm, ones_v)
  pltpu.sync_copy(znd_hbm.at[pl.ds(r0, ROWS_PER_TILE)],
                  deg_sh.at[pl.ds(r0, ROWS_PER_TILE)])
  plsc.subcore_barrier()

  def loop_body(j, carry):
    pltpu.sync_copy(ones_v, deg_sh.at[idx_d.at[j]], add=True)
    return carry

  lax.fori_loop(0, CHUNKS_PER_TILE, loop_body, 0)
  plsc.subcore_barrier()
  pltpu.sync_copy(deg_sh.at[pl.ds(r0, ROWS_PER_TILE)],
                  deg_out.at[cid, pl.ds(r0, ROWS_PER_TILE)])


def _sc_step_body(src_hbm, dst_hbm, x_hbm, znd_hbm, acc_out,
                  idx_s, idx_d, rows, acc_sh, gsem, isem):
  cid = lax.axis_index("c")
  sid = lax.axis_index("s")
  wid = sid * 2 + cid
  r0 = pl.multiple_of(sid * ROWS_PER_TILE, 8)

  pltpu.sync_copy(znd_hbm.at[pl.ds(r0, ROWS_PER_TILE)],
                  acc_sh.at[pl.ds(r0, ROWS_PER_TILE)])
  plsc.subcore_barrier()

  pltpu.sync_copy(src_hbm.at[wid, 0], idx_s.at[0])
  pltpu.sync_copy(dst_hbm.at[wid, 0], idx_d.at[0])
  pltpu.async_copy(x_hbm.at[idx_s.at[0]], rows.at[0], gsem)
  pltpu.async_copy(src_hbm.at[wid, 1], idx_s.at[1], isem)
  pltpu.async_copy(dst_hbm.at[wid, 1], idx_d.at[1], isem)

  def loop_body(j, carry):
    slot2 = lax.rem(j, 2)
    nxt2 = lax.rem(j + 1, 2)
    nxt3 = lax.rem(j + 1, 3)
    pre3 = lax.rem(j + 2, 3)

    @pl.when(j + 1 < CHUNKS_PER_TILE)
    def _():
      pltpu.make_async_copy(src_hbm.at[wid, 0], idx_s.at[0], isem).wait()
      pltpu.make_async_copy(dst_hbm.at[wid, 0], idx_d.at[0], isem).wait()
      pltpu.async_copy(x_hbm.at[idx_s.at[nxt3]], rows.at[nxt2], gsem)

      @pl.when(j + 2 < CHUNKS_PER_TILE)
      def _():
        pltpu.async_copy(src_hbm.at[wid, j + 2], idx_s.at[pre3], isem)
        pltpu.async_copy(dst_hbm.at[wid, j + 2], idx_d.at[pre3], isem)

    pltpu.make_async_copy(x_hbm.at[idx_s.at[0]], rows.at[0], gsem).wait()
    pltpu.sync_copy(rows.at[slot2], acc_sh.at[idx_d.at[lax.rem(j, 3)]],
                    add=True)
    return carry

  lax.fori_loop(0, CHUNKS_PER_TILE, loop_body, 0)
  plsc.subcore_barrier()

  pltpu.sync_copy(acc_sh.at[pl.ds(r0, ROWS_PER_TILE)],
                  acc_out.at[cid, pl.ds(r0, ROWS_PER_TILE)])


_SC_CACHE = {}


def _sc_deg():
  if "deg" not in _SC_CACHE:
    _SC_CACHE["deg"] = pl.kernel(
        _sc_deg_body,
        out_type=[jax.ShapeDtypeStruct((2, NPAD, D), jnp.float32)],
        mesh=_mesh(),
        scratch_types=[
            pltpu.VMEM((CHUNKS_PER_TILE, CHUNK), jnp.int32),
            pltpu.VMEM((CHUNK, D), jnp.float32),
            pltpu.VMEM_SHARED((NPAD, D), jnp.float32),
        ])
  return _SC_CACHE["deg"]


def _sc_step():
  if "step" not in _SC_CACHE:
    _SC_CACHE["step"] = pl.kernel(
        _sc_step_body,
        out_type=[jax.ShapeDtypeStruct((2, NPAD, D), jnp.float32)],
        mesh=_mesh(),
        scratch_types=[
            pltpu.VMEM((3, CHUNK), jnp.int32),
            pltpu.VMEM((3, CHUNK), jnp.int32),
            pltpu.VMEM((2, CHUNK, D), jnp.float32),
            pltpu.VMEM_SHARED((NPAD, D), jnp.float32),
            pltpu.SemaphoreType.DMA,
            pltpu.SemaphoreType.DMA,
        ])
  return _SC_CACHE["step"]


def _tc_update1(x_ref, e_ref, acc_ref, deg_ref, h_ref, out_ref, msq_ref):
  x = x_ref[...]
  h = h_ref[0, 0]
  deg = deg_ref[0, :, 0:1] + deg_ref[1, :, 0:1]
  inv = 1.0 / jnp.maximum(deg, 1.0)
  agg = (acc_ref[0] + acc_ref[1]) * inv
  out_ref[...] = x + h * (agg - x + e_ref[...])
  msq_ref[0, 0] = jnp.max(jnp.sum(x * x, axis=1))


def _tc_update2(x_ref, e_ref, acc_ref, deg_ref, h_ref, msq_ref,
                out_u_ref, out_i_ref):
  x = x_ref[...]
  h = h_ref[0, 0]
  scale = 1.0 / jnp.sqrt(msq_ref[0, 0])
  deg = deg_ref[0, :, 0:1] + deg_ref[1, :, 0:1]
  inv = 1.0 / jnp.maximum(deg, 1.0)
  agg = (acc_ref[0] + acc_ref[1]) * inv
  res = (x + h * (agg - x + e_ref[...])) * scale
  out_u_ref[...] = res[:N_USER]
  out_i_ref[...] = res[N_USER:N_NODES]


def _tc1(x, e, acc, deg, h):
  return pl.pallas_call(
      _tc_update1,
      out_shape=(jax.ShapeDtypeStruct((NPAD, D), jnp.float32),
                 jax.ShapeDtypeStruct((1, 1), jnp.float32)),
      in_specs=[pl.BlockSpec(memory_space=pltpu.VMEM)] * 4 +
               [pl.BlockSpec(memory_space=pltpu.SMEM)],
      out_specs=(pl.BlockSpec(memory_space=pltpu.VMEM),
                 pl.BlockSpec(memory_space=pltpu.SMEM)),
  )(x, e, acc, deg, h)


def _tc2(x, e, acc, deg, h, msq):
  return pl.pallas_call(
      _tc_update2,
      out_shape=(jax.ShapeDtypeStruct((N_USER, D), jnp.float32),
                 jax.ShapeDtypeStruct((N_ITEM, D), jnp.float32)),
      in_specs=[pl.BlockSpec(memory_space=pltpu.VMEM)] * 4 +
               [pl.BlockSpec(memory_space=pltpu.SMEM)] * 2,
      out_specs=(pl.BlockSpec(memory_space=pltpu.VMEM),
                 pl.BlockSpec(memory_space=pltpu.VMEM)),
  )(x, e, acc, deg, h, msq)


@jax.jit
def kernel(adj_obs, t_diff, x_u, x_i, xu_embed, xi_embed):
  x0 = jnp.concatenate([x_u, x_i], axis=0)
  e = jnp.concatenate([xu_embed, xi_embed], axis=0)
  pad = jnp.zeros((NPAD - N_NODES, D), jnp.float32)
  x0p = jnp.concatenate([x0, pad], axis=0)
  ep = jnp.concatenate([e, pad], axis=0)

  npe = EDGES_PAD - N_EDGES
  srcp = jnp.concatenate([adj_obs[0], jnp.zeros((npe,), jnp.int32)])
  dstp = jnp.concatenate([adj_obs[1], jnp.full((npe,), N_NODES, jnp.int32)])
  src3 = srcp.reshape(NW, CHUNKS_PER_TILE, CHUNK)
  dst3 = dstp.reshape(NW, CHUNKS_PER_TILE, CHUNK)

  zeros_nd = jnp.zeros((NPAD, D), jnp.float32)
  ones_cd = jnp.ones((CHUNK, D), jnp.float32)
  h = (t_diff / ODE_STEPS).reshape(1, 1)

  (deg,) = _sc_deg()(dst3, zeros_nd, ones_cd)
  (acc_a,) = _sc_step()(src3, dst3, x0p, zeros_nd)
  x1p, msq = _tc1(x0p, ep, acc_a, deg, h)
  (acc_b,) = _sc_step()(src3, dst3, x1p, zeros_nd)
  return _tc2(x1p, ep, acc_b, deg, h, msq)

# --- scband reference (transcript-rebuilt; emitter-appended) ---
"""Pipeline reference for scband-propagate-unit-55465207660624 (READ-ONLY COPY).

The authoritative reference and input builder live on the scoring server;
editing this copy changes nothing except your own understanding.
"""

import jax, jax.numpy as jnp
import numpy as np

N_USER = 5000
N_ITEM = 5000
N_NODES = N_USER + N_ITEM
N_EDGES = 320000
D_FEAT = 128
ODE_STEPS = 2


def setup_inputs(seed: int = 0) -> dict:
    key = jax.random.key(seed)
    k1, k2, k3, k4, k5, k6 = jax.random.split(key, 6)
    adj_obs = jax.random.randint(k1, (2, N_EDGES), 0, N_NODES, dtype=jnp.int32)
    t_diff = jax.random.uniform(k2, (1,), dtype=jnp.float32)
    x_u = jax.random.normal(k3, (N_USER, D_FEAT), dtype=jnp.float32)
    x_i = jax.random.normal(k4, (N_ITEM, D_FEAT), dtype=jnp.float32)
    xu_embed = jax.random.normal(k5, (N_USER, D_FEAT), dtype=jnp.float32)
    xi_embed = jax.random.normal(k6, (N_ITEM, D_FEAT), dtype=jnp.float32)
    return {"adj_obs": adj_obs, "t_diff": t_diff, "x_u": x_u, "x_i": x_i,
            "xu_embed": xu_embed, "xi_embed": xi_embed}


def _cgnn(x_embed, x_t, t_diff, edge_index):
    """Continuous GNN (Xhonneux et al. style): Euler integration of
    dx/dt = (A_hat - I) x + x0, where A_hat is the (in-degree normalized)
    observed adjacency, integrated over time horizon t_diff."""
    src = edge_index[0]
    dst = edge_index[1]
    deg = jax.ops.segment_sum(jnp.ones((src.shape[0],), dtype=x_t.dtype), dst,
                              num_segments=N_NODES)
    inv_deg = 1.0 / jnp.maximum(deg, 1.0)
    h = t_diff[0] / ODE_STEPS
    x = x_t
    for _ in range(ODE_STEPS):
        msgs = jnp.take(x, src, axis=0)
        agg = jax.ops.segment_sum(msgs, dst, num_segments=N_NODES)
        agg = agg * inv_deg[:, None]
        x = x + h * (agg - x + x_embed)
    return x


def reference(adj_obs, t_diff, x_u, x_i, xu_embed, xi_embed):
    x_t = jnp.concatenate([x_u, x_i], axis=0)
    x_embed = jnp.concatenate([xu_embed, xi_embed], axis=0)
    norm = jnp.max(jnp.linalg.norm(x_t, axis=1))
    x_t = x_t / norm
    x_embed = x_embed / norm
    z = _cgnn(x_embed, x_t, t_diff, adj_obs)
    return z[:N_USER], z[N_USER:]

if __name__ == "__main__":
    import jax
    _d = setup_inputs()
    print(jax.jit(kernel)(*tuple(_d.values())))

</pallas_src>

<mosaic_0001>
#map = affine_map<(d0, d1) -> (0, 0, 0)>
#map1 = affine_map<(d0, d1) -> (0, 0)>
module attributes {stable_mosaic.version = 14 : i64} {
  func.func @_sc_step_body(%arg0: i32, %arg1: i32, %arg2: memref<32x79x128xi32, #tpu.memory_space<hbm>>, %arg3: memref<32x79x128xi32, #tpu.memory_space<hbm>>, %arg4: memref<10240x128xf32, #tpu.memory_space<hbm>>, %arg5: memref<10240x128xf32, #tpu.memory_space<hbm>>, %arg6: memref<2x10240x128xf32, #tpu.memory_space<hbm>>, %arg7: memref<3x128xi32, #tpu.memory_space<vmem>>, %arg8: memref<3x128xi32, #tpu.memory_space<vmem>>, %arg9: memref<2x128x128xf32, #tpu.memory_space<vmem>>, %arg10: memref<10240x128xf32, #tpu.memory_space<vmem_shared>>, %arg11: memref<!tpu.dma_semaphore, #tpu.memory_space<semaphore_mem>>, %arg12: memref<!tpu.dma_semaphore, #tpu.memory_space<semaphore_mem>>) attributes {dimension_semantics = [#tpu.dimension_semantics<core_parallel>, #tpu.dimension_semantics<subcore_parallel>], iteration_bounds = array<i64: 2, 16>, scalar_prefetch = 0 : i64, scratch_operands = 6 : i64, tpu.core_type = #tpu.core_type<sc_vector_subcore>, window_params = [{transform_indices = #map}, {transform_indices = #map}, {transform_indices = #map1}, {transform_indices = #map1}, {transform_indices = #map}]} {
    %mul3A = arith.constant 2 : i32
    %mul3A_0 = arith.muli %arg1, %mul3A : i32
    %add3A = arith.addi %mul3A_0, %arg0 : i32
    %mul3A_1 = arith.constant 640 : i32
    %mul3A_2 = arith.muli %arg1, %mul3A_1 : i32
    %multiple_of3A = tpu.assume_multiple %mul3A_2, 8 : i32
    "tpu.region"() ({
      %run_scoped3A_51 = tpu.sem_alloc : memref<!tpu.dma_semaphore, #tpu.memory_space<semaphore_mem>>
      %dma_start3A_52 = arith.constant 0 : i32
      %dma_start3A_53 = tpu.memref_slice %arg10[%multiple_of3A, %dma_start3A_52] : memref<10240x128xf32, #tpu.memory_space<vmem_shared>> -> memref<640x128xf32, #tpu.memory_space<vmem_shared>>
      %dma_start3A_54 = arith.constant 0 : i32
      %dma_start3A_55 = tpu.memref_slice %arg5[%multiple_of3A, %dma_start3A_54] : memref<10240x128xf32, #tpu.memory_space<hbm>> -> memref<640x128xf32, #tpu.memory_space<hbm>>
      tpu.enqueue_dma source(%dma_start3A_55 : memref<640x128xf32, #tpu.memory_space<hbm>>) target(%dma_start3A_53 : memref<640x128xf32, #tpu.memory_space<vmem_shared>>) target_semaphore(%run_scoped3A_51 : memref<!tpu.dma_semaphore, #tpu.memory_space<semaphore_mem>>)
      %dma_wait3A = arith.constant 0 : i32
      %dma_wait3A_56 = tpu.memref_slice %arg10[%multiple_of3A, %dma_wait3A] : memref<10240x128xf32, #tpu.memory_space<vmem_shared>> -> memref<640x128xf32, #tpu.memory_space<vmem_shared>>
      %dma_wait3A_57 = arith.constant 0 : i32
      %dma_wait3A_58 = tpu.memref_slice %arg5[%multiple_of3A, %dma_wait3A_57] : memref<10240x128xf32, #tpu.memory_space<hbm>> -> memref<640x128xf32, #tpu.memory_space<hbm>>
      tpu.wait_dma2 semaphore(%run_scoped3A_51 : memref<!tpu.dma_semaphore, #tpu.memory_space<semaphore_mem>>) src(%dma_wait3A_58 : memref<640x128xf32, #tpu.memory_space<hbm>>) dst(%dma_wait3A_56 : memref<640x128xf32, #tpu.memory_space<vmem_shared>>)
      tpu.yield
    }) : () -> ()
    %barrier3A = arith.constant 0 : index
    tpu.barrier barrier_id(%barrier3A)
    %run_scoped3A = arith.constant 0 : i32
    %run_scoped3A_3 = arith.constant 0 : i32
    "tpu.region"() ({
      %run_scoped3A_51 = tpu.sem_alloc : memref<!tpu.dma_semaphore, #tpu.memory_space<semaphore_mem>>
      %dma_start3A_52 = arith.constant 0 : i32
      %dma_start3A_53 = tpu.memref_slice %arg7[%run_scoped3A_3, %dma_start3A_52] : memref<3x128xi32, #tpu.memory_space<vmem>> -> memref<1x128xi32, #tpu.memory_space<vmem>>
      %dma_start3A_54 = tpu.memref_squeeze %dma_start3A_53 : memref<1x128xi32, #tpu.memory_space<vmem>> -> memref<128xi32, #tpu.memory_space<vmem>>
      %dma_start3A_55 = arith.constant 0 : i32
      %dma_start3A_56 = tpu.memref_slice %arg2[%add3A, %run_scoped3A, %dma_start3A_55] : memref<32x79x128xi32, #tpu.memory_space<hbm>> -> memref<1x1x128xi32, #tpu.memory_space<hbm>>
      %dma_start3A_57 = tpu.memref_squeeze %dma_start3A_56 : memref<1x1x128xi32, #tpu.memory_space<hbm>> -> memref<128xi32, #tpu.memory_space<hbm>>
      %dma_start3A_58 = arith.constant 0 : i32
      %dma_start3A_59 = tpu.memref_slice %arg7[%run_scoped3A_3, %dma_start3A_58] : memref<3x128xi32, #tpu.memory_space<vmem>> -> memref<1x128xi32, #tpu.memory_space<vmem>>
      %dma_start3A_60 = tpu.memref_squeeze %dma_start3A_59 : memref<1x128xi32, #tpu.memory_space<vmem>> -> memref<128xi32, #tpu.memory_space<vmem>>
      %dma_start3A_61 = arith.constant 0 : i32
      %dma_start3A_62 = tpu.memref_slice %arg2[%add3A, %run_scoped3A, %dma_start3A_61] : memref<32x79x128xi32, #tpu.memory_space<hbm>> -> memref<1x1x128xi32, #tpu.memory_space<hbm>>
      %dma_start3A_63 = tpu.memref_squeeze %dma_start3A_62 : memref<1x1x128xi32, #tpu.memory_space<hbm>> -> memref<128xi32, #tpu.memory_space<hbm>>
      tpu.enqueue_dma source(%dma_start3A_63 : memref<128xi32, #tpu.memory_space<hbm>>) target(%dma_start3A_60 : memref<128xi32, #tpu.memory_space<vmem>>) target_semaphore(%run_scoped3A_51 : memref<!tpu.dma_semaphore, #tpu.memory_space<semaphore_mem>>)
      %dma_wait3A = arith.constant 0 : i32
      %dma_wait3A_64 = tpu.memref_slice %arg7[%run_scoped3A_3, %dma_wait3A] : memref<3x128xi32, #tpu.memory_space<vmem>> -> memref<1x128xi32, #tpu.memory_space<vmem>>
      %dma_wait3A_65 = tpu.memref_squeeze %dma_wait3A_64 : memref<1x128xi32, #tpu.memory_space<vmem>> -> memref<128xi32, #tpu.memory_space<vmem>>
      %dma_wait3A_66 = arith.constant 0 : i32
      %dma_wait3A_67 = tpu.memref_slice %arg2[%add3A, %run_scoped3A, %dma_wait3A_66] : memref<32x79x128xi32, #tpu.memory_space<hbm>> -> memref<1x1x128xi32, #tpu.memory_space<hbm>>
      %dma_wait3A_68 = tpu.memref_squeeze %dma_wait3A_67 : memref<1x1x128xi32, #tpu.memory_space<hbm>> -> memref<128xi32, #tpu.memory_space<hbm>>
      %dma_wait3A_69 = arith.constant 0 : i32
      %dma_wait3A_70 = tpu.memref_slice %arg7[%run_scoped3A_3, %dma_wait3A_69] : memref<3x128xi32, #tpu.memory_space<vmem>> -> memref<1x128xi32, #tpu.memory_space<vmem>>
      %dma_wait3A_71 = tpu.memref_squeeze %dma_wait3A_70 : memref<1x128xi32, #tpu.memory_space<vmem>> -> memref<128xi32, #tpu.memory_space<vmem>>
      %dma_wait3A_72 = arith.constant 0 : i32
      %dma_wait3A_73 = tpu.memref_slice %arg2[%add3A, %run_scoped3A, %dma_wait3A_72] : memref<32x79x128xi32, #tpu.memory_space<hbm>> -> memref<1x1x128xi32, #tpu.memory_space<hbm>>
      %dma_wait3A_74 = tpu.memref_squeeze %dma_wait3A_73 : memref<1x1x128xi32, #tpu.memory_space<hbm>> -> memref<128xi32, #tpu.memory_space<hbm>>
      tpu.wait_dma2 semaphore(%run_scoped3A_51 : memref<!tpu.dma_semaphore, #tpu.memory_space<semaphore_mem>>) src(%dma_wait3A_74 : memref<128xi32, #tpu.memory_space<hbm>>) dst(%dma_wait3A_71 : memref<128xi32, #tpu.memory_space<vmem>>)
      tpu.yield
    }) : () -> ()
    %run_scoped3A_4 = arith.constant 0 : i32
    %run_scoped3A_5 = arith.constant 0 : i32
    "tpu.region"() ({
      %run_scoped3A_51 = tpu.sem_alloc : memref<!tpu.dma_semaphore, #tpu.memory_space<semaphore_mem>>
      %dma_start3A_52 = arith.constant 0 : i32
      %dma_start3A_53 = tpu.memref_slice %arg8[%run_scoped3A_5, %dma_start3A_52] : memref<3x128xi32, #tpu.memory_space<vmem>> -> memref<1x128xi32, #tpu.memory_space<vmem>>
      %dma_start3A_54 = tpu.memref_squeeze %dma_start3A_53 : memref<1x128xi32, #tpu.memory_space<vmem>> -> memref<128xi32, #tpu.memory_space<vmem>>
      %dma_start3A_55 = arith.constant 0 : i32
      %dma_start3A_56 = tpu.memref_slice %arg3[%add3A, %run_scoped3A_4, %dma_start3A_55] : memref<32x79x128xi32, #tpu.memory_space<hbm>> -> memref<1x1x128xi32, #tpu.memory_space<hbm>>
      %dma_start3A_57 = tpu.memref_squeeze %dma_start3A_56 : memref<1x1x128xi32, #tpu.memory_space<hbm>> -> memref<128xi32, #tpu.memory_space<hbm>>
      %dma_start3A_58 = arith.constant 0 : i32
      %dma_start3A_59 = tpu.memref_slice %arg8[%run_scoped3A_5, %dma_start3A_58] : memref<3x128xi32, #tpu.memory_space<vmem>> -> memref<1x128xi32, #tpu.memory_space<vmem>>
      %dma_start3A_60 = tpu.memref_squeeze %dma_start3A_59 : memref<1x128xi32, #tpu.memory_space<vmem>> -> memref<128xi32, #tpu.memory_space<vmem>>
      %dma_start3A_61 = arith.constant 0 : i32
      %dma_start3A_62 = tpu.memref_slice %arg3[%add3A, %run_scoped3A_4, %dma_start3A_61] : memref<32x79x128xi32, #tpu.memory_space<hbm>> -> memref<1x1x128xi32, #tpu.memory_space<hbm>>
      %dma_start3A_63 = tpu.memref_squeeze %dma_start3A_62 : memref<1x1x128xi32, #tpu.memory_space<hbm>> -> memref<128xi32, #tpu.memory_space<hbm>>
      tpu.enqueue_dma source(%dma_start3A_63 : memref<128xi32, #tpu.memory_space<hbm>>) target(%dma_start3A_60 : memref<128xi32, #tpu.memory_space<vmem>>) target_semaphore(%run_scoped3A_51 : memref<!tpu.dma_semaphore, #tpu.memory_space<semaphore_mem>>)
      %dma_wait3A = arith.constant 0 : i32
      %dma_wait3A_64 = tpu.memref_slice %arg8[%run_scoped3A_5, %dma_wait3A] : memref<3x128xi32, #tpu.memory_space<vmem>> -> memref<1x128xi32, #tpu.memory_space<vmem>>
      %dma_wait3A_65 = tpu.memref_squeeze %dma_wait3A_64 : memref<1x128xi32, #tpu.memory_space<vmem>> -> memref<128xi32, #tpu.memory_space<vmem>>
      %dma_wait3A_66 = arith.constant 0 : i32
      %dma_wait3A_67 = tpu.memref_slice %arg3[%add3A, %run_scoped3A_4, %dma_wait3A_66] : memref<32x79x128xi32, #tpu.memory_space<hbm>> -> memref<1x1x128xi32, #tpu.memory_space<hbm>>
      %dma_wait3A_68 = tpu.memref_squeeze %dma_wait3A_67 : memref<1x1x128xi32, #tpu.memory_space<hbm>> -> memref<128xi32, #tpu.memory_space<hbm>>
      %dma_wait3A_69 = arith.constant 0 : i32
      %dma_wait3A_70 = tpu.memref_slice %arg8[%run_scoped3A_5, %dma_wait3A_69] : memref<3x128xi32, #tpu.memory_space<vmem>> -> memref<1x128xi32, #tpu.memory_space<vmem>>
      %dma_wait3A_71 = tpu.memref_squeeze %dma_wait3A_70 : memref<1x128xi32, #tpu.memory_space<vmem>> -> memref<128xi32, #tpu.memory_space<vmem>>
      %dma_wait3A_72 = arith.constant 0 : i32
      %dma_wait3A_73 = tpu.memref_slice %arg3[%add3A, %run_scoped3A_4, %dma_wait3A_72] : memref<32x79x128xi32, #tpu.memory_space<hbm>> -> memref<1x1x128xi32, #tpu.memory_space<hbm>>
      %dma_wait3A_74 = tpu.memref_squeeze %dma_wait3A_73 : memref<1x1x128xi32, #tpu.memory_space<hbm>> -> memref<128xi32, #tpu.memory_space<hbm>>
      tpu.wait_dma2 semaphore(%run_scoped3A_51 : memref<!tpu.dma_semaphore, #tpu.memory_space<semaphore_mem>>) src(%dma_wait3A_74 : memref<128xi32, #tpu.memory_space<hbm>>) dst(%dma_wait3A_71 : memref<128xi32, #tpu.memory_space<vmem>>)
      tpu.yield
    }) : () -> ()
    %dma_start3A = arith.constant 0 : i32
    %dma_start3A_6 = arith.constant 0 : i32
    %dma_start3A_7 = arith.constant 0 : i32
    %dma_start3A_8 = arith.constant 0 : i32
    %dma_start3A_9 = tpu.memref_slice %arg9[%dma_start3A_6, %dma_start3A_7, %dma_start3A_8] : memref<2x128x128xf32, #tpu.memory_space<vmem>> -> memref<1x128x128xf32, #tpu.memory_space<vmem>>
    %dma_start3A_10 = tpu.memref_squeeze %dma_start3A_9 : memref<1x128x128xf32, #tpu.memory_space<vmem>> -> memref<128x128xf32, #tpu.memory_space<vmem>>
    %dma_start3A_11 = arith.constant 0 : i32
    %dma_start3A_12 = tpu.memref_slice %arg7[%dma_start3A, %dma_start3A_11] : memref<3x128xi32, #tpu.memory_space<vmem>> -> memref<1x128xi32, #tpu.memory_space<vmem>>
    %dma_start3A_13 = tpu.memref_squeeze %dma_start3A_12 : memref<1x128xi32, #tpu.memory_space<vmem>> -> memref<128xi32, #tpu.memory_space<vmem>>
    %dma_start3A_14 = arith.constant 0 : i32
    %dma_start3A_15 = arith.constant 0 : i32
    %dma_start3A_16 = tpu.memref_slice %arg4[%dma_start3A_14, %dma_start3A_15] : memref<10240x128xf32, #tpu.memory_space<hbm>> -> memref<10240x128xf32, #tpu.memory_space<hbm>>
    tpu.enqueue_indirect_dma source(%dma_start3A_16 : memref<10240x128xf32, #tpu.memory_space<hbm>>) target(%dma_start3A_10 : memref<128x128xf32, #tpu.memory_space<vmem>>) offsets(%dma_start3A_13 : memref<128xi32, #tpu.memory_space<vmem>>) semaphore(%arg11 : memref<!tpu.dma_semaphore, #tpu.memory_space<semaphore_mem>>)
    %dma_start3A_17 = arith.constant 1 : i32
    %dma_start3A_18 = arith.constant 1 : i32
    %dma_start3A_19 = arith.constant 0 : i32
    %dma_start3A_20 = tpu.memref_slice %arg7[%dma_start3A_18, %dma_start3A_19] : memref<3x128xi32, #tpu.memory_space<vmem>> -> memref<1x128xi32, #tpu.memory_space<vmem>>
    %dma_start3A_21 = tpu.memref_squeeze %dma_start3A_20 : memref<1x128xi32, #tpu.memory_space<vmem>> -> memref<128xi32, #tpu.memory_space<vmem>>
    %dma_start3A_22 = arith.constant 0 : i32
    %dma_start3A_23 = tpu.memref_slice %arg2[%add3A, %dma_start3A_17, %dma_start3A_22] : memref<32x79x128xi32, #tpu.memory_space<hbm>> -> memref<1x1x128xi32, #tpu.memory_space<hbm>>
    %dma_start3A_24 = tpu.memref_squeeze %dma_start3A_23 : memref<1x1x128xi32, #tpu.memory_space<hbm>> -> memref<128xi32, #tpu.memory_space<hbm>>
    %dma_start3A_25 = arith.constant 0 : i32
    %dma_start3A_26 = tpu.memref_slice %arg7[%dma_start3A_18, %dma_start3A_25] : memref<3x128xi32, #tpu.memory_space<vmem>> -> memref<1x128xi32, #tpu.memory_space<vmem>>
    %dma_start3A_27 = tpu.memref_squeeze %dma_start3A_26 : memref<1x128xi32, #tpu.memory_space<vmem>> -> memref<128xi32, #tpu.memory_space<vmem>>
    %dma_start3A_28 = arith.constant 0 : i32
    %dma_start3A_29 = tpu.memref_slice %arg2[%add3A, %dma_start3A_17, %dma_start3A_28] : memref<32x79x128xi32, #tpu.memory_space<hbm>> -> memref<1x1x128xi32, #tpu.memory_space<hbm>>
    %dma_start3A_30 = tpu.memref_squeeze %dma_start3A_29 : memref<1x1x128xi32, #tpu.memory_space<hbm>> -> memref<128xi32, #tpu.memory_space<hbm>>
    tpu.enqueue_dma source(%dma_start3A_30 : memref<128xi32, #tpu.memory_space<hbm>>) target(%dma_start3A_27 : memref<128xi32, #tpu.memory_space<vmem>>) target_semaphore(%arg12 : memref<!tpu.dma_semaphore, #tpu.memory_space<semaphore_mem>>)
    %dma_start3A_31 = arith.constant 1 : i32
    %dma_start3A_32 = arith.constant 1 : i32
    %dma_start3A_33 = arith.constant 0 : i32
    %dma_start3A_34 = tpu.memref_slice %arg8[%dma_start3A_32, %dma_start3A_33] : memref<3x128xi32, #tpu.memory_space<vmem>> -> memref<1x128xi32, #tpu.memory_space<vmem>>
    %dma_start3A_35 = tpu.memref_squeeze %dma_start3A_34 : memref<1x128xi32, #tpu.memory_space<vmem>> -> memref<128xi32, #tpu.memory_space<vmem>>
    %dma_start3A_36 = arith.constant 0 : i32
    %dma_start3A_37 = tpu.memref_slice %arg3[%add3A, %dma_start3A_31, %dma_start3A_36] : memref<32x79x128xi32, #tpu.memory_space<hbm>> -> memref<1x1x128xi32, #tpu.memory_space<hbm>>
    %dma_start3A_38 = tpu.memref_squeeze %dma_start3A_37 : memref<1x1x128xi32, #tpu.memory_space<hbm>> -> memref<128xi32, #tpu.memory_space<hbm>>
    %dma_start3A_39 = arith.constant 0 : i32
    %dma_start3A_40 = tpu.memref_slice %arg8[%dma_start3A_32, %dma_start3A_39] : memref<3x128xi32, #tpu.memory_space<vmem>> -> memref<1x128xi32, #tpu.memory_space<vmem>>
    %dma_start3A_41 = tpu.memref_squeeze %dma_start3A_40 : memref<1x128xi32, #tpu.memory_space<vmem>> -> memref<128xi32, #tpu.memory_space<vmem>>
    %dma_start3A_42 = arith.constant 0 : i32
    %dma_start3A_43 = tpu.memref_slice %arg3[%add3A, %dma_start3A_31, %dma_start3A_42] : memref<32x79x128xi32, #tpu.memory_space<hbm>> -> memref<1x1x128xi32, #tpu.memory_space<hbm>>
    %dma_start3A_44 = tpu.memref_squeeze %dma_start3A_43 : memref<1x1x128xi32, #tpu.memory_space<hbm>> -> memref<128xi32, #tpu.memory_space<hbm>>
    tpu.enqueue_dma source(%dma_start3A_44 : memref<128xi32, #tpu.memory_space<hbm>>) target(%dma_start3A_41 : memref<128xi32, #tpu.memory_space<vmem>>) target_semaphore(%arg12 : memref<!tpu.dma_semaphore, #tpu.memory_space<semaphore_mem>>)
    %scan3A = arith.constant 0 : i32
    %scan3A_45 = arith.constant 0 : i32
    %scan3A_46 = arith.constant 79 : i32
    %scan3A_47 = arith.addi %scan3A_45, %scan3A_46 : i32
    %scan3A_48 = arith.constant 1 : i32
    scf.for %scan3A_51 = %scan3A_45 to %scan3A_47 step %scan3A_48  : i32 {
      %rem3A = arith.constant 2 : i32
      %rem3A_52 = arith.remsi %scan3A_51, %rem3A : i32
      %add3A_53 = arith.constant 1 : i32
      %add3A_54 = arith.addi %scan3A_51, %add3A_53 : i32
      %rem3A_55 = arith.constant 2 : i32
      %rem3A_56 = arith.remsi %add3A_54, %rem3A_55 : i32
      %add3A_57 = arith.constant 1 : i32
      %add3A_58 = arith.addi %scan3A_51, %add3A_57 : i32
      %rem3A_59 = arith.constant 3 : i32
      %rem3A_60 = arith.remsi %add3A_58, %rem3A_59 : i32
      %add3A_61 = arith.constant 2 : i32
      %add3A_62 = arith.addi %scan3A_51, %add3A_61 : i32
      %rem3A_63 = arith.constant 3 : i32
      %rem3A_64 = arith.remsi %add3A_62, %rem3A_63 : i32
      %add3A_65 = arith.constant 1 : i32
      %add3A_66 = arith.addi %scan3A_51, %add3A_65 : i32
      %lt3A = arith.constant 79 : i32
      %lt3A_67 = arith.cmpi slt, %add3A_66, %lt3A : i32
      %convert_element_type3A = arith.extui %lt3A_67 : i1 to i32
      %cond3A = arith.constant 0 : i32
      %cond3A_68 = arith.cmpi ne, %convert_element_type3A, %cond3A : i32
      scf.if %cond3A_68 {
        %dma_wait3A_82 = arith.constant 0 : i32
        %dma_wait3A_83 = arith.constant 0 : i32
        %dma_wait3A_84 = arith.constant 0 : i32
        %dma_wait3A_85 = tpu.memref_slice %arg7[%dma_wait3A_83, %dma_wait3A_84] : memref<3x128xi32, #tpu.memory_space<vmem>> -> memref<1x128xi32, #tpu.memory_space<vmem>>
        %dma_wait3A_86 = tpu.memref_squeeze %dma_wait3A_85 : memref<1x128xi32, #tpu.memory_space<vmem>> -> memref<128xi32, #tpu.memory_space<vmem>>
        %dma_wait3A_87 = arith.constant 0 : i32
        %dma_wait3A_88 = tpu.memref_slice %arg2[%add3A, %dma_wait3A_82, %dma_wait3A_87] : memref<32x79x128xi32, #tpu.memory_space<hbm>> -> memref<1x1x128xi32, #tpu.memory_space<hbm>>
        %dma_wait3A_89 = tpu.memref_squeeze %dma_wait3A_88 : memref<1x1x128xi32, #tpu.memory_space<hbm>> -> memref<128xi32, #tpu.memory_space<hbm>>
        %dma_wait3A_90 = arith.constant 0 : i32
        %dma_wait3A_91 = tpu.memref_slice %arg7[%dma_wait3A_83, %dma_wait3A_90] : memref<3x128xi32, #tpu.memory_space<vmem>> -> memref<1x128xi32, #tpu.memory_space<vmem>>
        %dma_wait3A_92 = tpu.memref_squeeze %dma_wait3A_91 : memref<1x128xi32, #tpu.memory_space<vmem>> -> memref<128xi32, #tpu.memory_space<vmem>>
        %dma_wait3A_93 = arith.constant 0 : i32
        %dma_wait3A_94 = tpu.memref_slice %arg2[%add3A, %dma_wait3A_82, %dma_wait3A_93] : memref<32x79x128xi32, #tpu.memory_space<hbm>> -> memref<1x1x128xi32, #tpu.memory_space<hbm>>
        %dma_wait3A_95 = tpu.memref_squeeze %dma_wait3A_94 : memref<1x1x128xi32, #tpu.memory_space<hbm>> -> memref<128xi32, #tpu.memory_space<hbm>>
        tpu.wait_dma2 semaphore(%arg12 : memref<!tpu.dma_semaphore, #tpu.memory_space<semaphore_mem>>) src(%dma_wait3A_95 : memref<128xi32, #tpu.memory_space<hbm>>) dst(%dma_wait3A_92 : memref<128xi32, #tpu.memory_space<vmem>>)
        %dma_wait3A_96 = arith.constant 0 : i32
        %dma_wait3A_97 = arith.constant 0 : i32
        %dma_wait3A_98 = arith.constant 0 : i32
        %dma_wait3A_99 = tpu.memref_slice %arg8[%dma_wait3A_97, %dma_wait3A_98] : memref<3x128xi32, #tpu.memory_space<vmem>> -> memref<1x128xi32, #tpu.memory_space<vmem>>
        %dma_wait3A_100 = tpu.memref_squeeze %dma_wait3A_99 : memref<1x128xi32, #tpu.memory_space<vmem>> -> memref<128xi32, #tpu.memory_space<vmem>>
        %dma_wait3A_101 = arith.constant 0 : i32
        %dma_wait3A_102 = tpu.memref_slice %arg3[%add3A, %dma_wait3A_96, %dma_wait3A_101] : memref<32x79x128xi32, #tpu.memory_space<hbm>> -> memref<1x1x128xi32, #tpu.memory_space<hbm>>
        %dma_wait3A_103 = tpu.memref_squeeze %dma_wait3A_102 : memref<1x1x128xi32, #tpu.memory_space<hbm>> -> memref<128xi32, #tpu.memory_space<hbm>>
        %dma_wait3A_104 = arith.constant 0 : i32
        %dma_wait3A_105 = tpu.memref_slice %arg8[%dma_wait3A_97, %dma_wait3A_104] : memref<3x128xi32, #tpu.memory_space<vmem>> -> memref<1x128xi32, #tpu.memory_space<vmem>>
        %dma_wait3A_106 = tpu.memref_squeeze %dma_wait3A_105 : memref<1x128xi32, #tpu.memory_space<vmem>> -> memref<128xi32, #tpu.memory_space<vmem>>
        %dma_wait3A_107 = arith.constant 0 : i32
        %dma_wait3A_108 = tpu.memref_slice %arg3[%add3A, %dma_wait3A_96, %dma_wait3A_107] : memref<32x79x128xi32, #tpu.memory_space<hbm>> -> memref<1x1x128xi32, #tpu.memory_space<hbm>>
        %dma_wait3A_109 = tpu.memref_squeeze %dma_wait3A_108 : memref<1x1x128xi32, #tpu.memory_space<hbm>> -> memref<128xi32, #tpu.memory_space<hbm>>
        tpu.wait_dma2 semaphore(%arg12 : memref<!tpu.dma_semaphore, #tpu.memory_space<semaphore_mem>>) src(%dma_wait3A_109 : memref<128xi32, #tpu.memory_space<hbm>>) dst(%dma_wait3A_106 : memref<128xi32, #tpu.memory_space<vmem>>)
        %dma_start3A_110 = arith.constant 0 : i32
        %dma_start3A_111 = arith.constant 0 : i32
        %dma_start3A_112 = tpu.memref_slice %arg9[%rem3A_56, %dma_start3A_110, %dma_start3A_111] : memref<2x128x128xf32, #tpu.memory_space<vmem>> -> memref<1x128x128xf32, #tpu.memory_space<vmem>>
        %dma_start3A_113 = tpu.memref_squeeze %dma_start3A_112 : memref<1x128x128xf32, #tpu.memory_space<vmem>> -> memref<128x128xf32, #tpu.memory_space<vmem>>
        %dma_start3A_114 = arith.constant 0 : i32
        %dma_start3A_115 = tpu.memref_slice %arg7[%rem3A_60, %dma_start3A_114] : memref<3x128xi32, #tpu.memory_space<vmem>> -> memref<1x128xi32, #tpu.memory_space<vmem>>
        %dma_start3A_116 = tpu.memref_squeeze %dma_start3A_115 : memref<1x128xi32, #tpu.memory_space<vmem>> -> memref<128xi32, #tpu.memory_space<vmem>>
        %dma_start3A_117 = arith.constant 0 : i32
        %dma_start3A_118 = arith.constant 0 : i32
        %dma_start3A_119 = tpu.memref_slice %arg4[%dma_start3A_117, %dma_start3A_118] : memref<10240x128xf32, #tpu.memory_space<hbm>> -> memref<10240x128xf32, #tpu.memory_space<hbm>>
        tpu.enqueue_indirect_dma source(%dma_start3A_119 : memref<10240x128xf32, #tpu.memory_space<hbm>>) target(%dma_start3A_113 : memref<128x128xf32, #tpu.memory_space<vmem>>) offsets(%dma_start3A_116 : memref<128xi32, #tpu.memory_space<vmem>>) semaphore(%arg11 : memref<!tpu.dma_semaphore, #tpu.memory_space<semaphore_mem>>)
        %add3A_120 = arith.constant 2 : i32
        %add3A_121 = arith.addi %scan3A_51, %add3A_120 : i32
        %lt3A_122 = arith.constant 79 : i32
        %lt3A_123 = arith.cmpi slt, %add3A_121, %lt3A_122 : i32
        %convert_element_type3A_124 = arith.extui %lt3A_123 : i1 to i32
        %cond3A_125 = arith.constant 0 : i32
        %cond3A_126 = arith.cmpi ne, %convert_element_type3A_124, %cond3A_125 : i32
        scf.if %cond3A_126 {
          %add3A_127 = arith.constant 2 : i32
          %add3A_128 = arith.addi %scan3A_51, %add3A_127 : i32
          %dma_start3A_129 = arith.constant 0 : i32
          %dma_start3A_130 = tpu.memref_slice %arg7[%rem3A_64, %dma_start3A_129] : memref<3x128xi32, #tpu.memory_space<vmem>> -> memref<1x128xi32, #tpu.memory_space<vmem>>
          %dma_start3A_131 = tpu.memref_squeeze %dma_start3A_130 : memref<1x128xi32, #tpu.memory_space<vmem>> -> memref<128xi32, #tpu.memory_space<vmem>>
          %dma_start3A_132 = arith.constant 0 : i32
          %dma_start3A_133 = tpu.memref_slice %arg2[%add3A, %add3A_128, %dma_start3A_132] : memref<32x79x128xi32, #tpu.memory_space<hbm>> -> memref<1x1x128xi32, #tpu.memory_space<hbm>>
          %dma_start3A_134 = tpu.memref_squeeze %dma_start3A_133 : memref<1x1x128xi32, #tpu.memory_space<hbm>> -> memref<128xi32, #tpu.memory_space<hbm>>
          %dma_start3A_135 = arith.constant 0 : i32
          %dma_start3A_136 = tpu.memref_slice %arg7[%rem3A_64, %dma_start3A_135] : memref<3x128xi32, #tpu.memory_space<vmem>> -> memref<1x128xi32, #tpu.memory_space<vmem>>
          %dma_start3A_137 = tpu.memref_squeeze %dma_start3A_136 : memref<1x128xi32, #tpu.memory_space<vmem>> -> memref<128xi32, #tpu.memory_space<vmem>>
          %dma_start3A_138 = arith.constant 0 : i32
          %dma_start3A_139 = tpu.memref_slice %arg2[%add3A, %add3A_128, %dma_start3A_138] : memref<32x79x128xi32, #tpu.memory_space<hbm>> -> memref<1x1x128xi32, #tpu.memory_space<hbm>>
          %dma_start3A_140 = tpu.memref_squeeze %dma_start3A_139 : memref<1x1x128xi32, #tpu.memory_space<hbm>> -> memref<128xi32, #tpu.memory_space<hbm>>
          tpu.enqueue_dma source(%dma_start3A_140 : memref<128xi32, #tpu.memory_space<hbm>>) target(%dma_start3A_137 : memref<128xi32, #tpu.memory_space<vmem>>) target_semaphore(%arg12 : memref<!tpu.dma_semaphore, #tpu.memory_space<semaphore_mem>>)
          %add3A_141 = arith.constant 2 : i32
          %add3A_142 = arith.addi %scan3A_51, %add3A_141 : i32
          %dma_start3A_143 = arith.constant 0 : i32
          %dma_start3A_144 = tpu.memref_slice %arg8[%rem3A_64, %dma_start3A_143] : memref<3x128xi32, #tpu.memory_space<vmem>> -> memref<1x128xi32, #tpu.memory_space<vmem>>
          %dma_start3A_145 = tpu.memref_squeeze %dma_start3A_144 : memref<1x128xi32, #tpu.memory_space<vmem>> -> memref<128xi32, #tpu.memory_space<vmem>>
          %dma_start3A_146 = arith.constant 0 : i32
          %dma_start3A_147 = tpu.memref_slice %arg3[%add3A, %add3A_142, %dma_start3A_146] : memref<32x79x128xi32, #tpu.memory_space<hbm>> -> memref<1x1x128xi32, #tpu.memory_space<hbm>>
          %dma_start3A_148 = tpu.memref_squeeze %dma_start3A_147 : memref<1x1x128xi32, #tpu.memory_space<hbm>> -> memref<128xi32, #tpu.memory_space<hbm>>
          %dma_start3A_149 = arith.constant 0 : i32
          %dma_start3A_150 = tpu.memref_slice %arg8[%rem3A_64, %dma_start3A_149] : memref<3x128xi32, #tpu.memory_space<vmem>> -> memref<1x128xi32, #tpu.memory_space<vmem>>
          %dma_start3A_151 = tpu.memref_squeeze %dma_start3A_150 : memref<1x128xi32, #tpu.memory_space<vmem>> -> memref<128xi32, #tpu.memory_space<vmem>>
          %dma_start3A_152 = arith.constant 0 : i32
          %dma_start3A_153 = tpu.memref_slice %arg3[%add3A, %add3A_142, %dma_start3A_152] : memref<32x79x128xi32, #tpu.memory_space<hbm>> -> memref<1x1x128xi32, #tpu.memory_space<hbm>>
          %dma_start3A_154 = tpu.memref_squeeze %dma_start3A_153 : memref<1x1x128xi32, #tpu.memory_space<hbm>> -> memref<128xi32, #tpu.memory_space<hbm>>
          tpu.enqueue_dma source(%dma_start3A_154 : memref<128xi32, #tpu.memory_space<hbm>>) target(%dma_start3A_151 : memref<128xi32, #tpu.memory_space<vmem>>) target_semaphore(%arg12 : memref<!tpu.dma_semaphore, #tpu.memory_space<semaphore_mem>>)
        } else {
        }
      } else {
      }
      %dma_wait3A = arith.constant 0 : i32
      %dma_wait3A_69 = arith.constant 0 : i32
      %dma_wait3A_70 = arith.constant 0 : i32
      %dma_wait3A_71 = arith.constant 0 : i32
      %dma_wait3A_72 = tpu.memref_slice %arg9[%dma_wait3A_69, %dma_wait3A_70, %dma_wait3A_71] : memref<2x128x128xf32, #tpu.memory_space<vmem>> -> memref<1x128x128xf32, #tpu.memory_space<vmem>>
      %dma_wait3A_73 = tpu.memref_squeeze %dma_wait3A_72 : memref<1x128x128xf32, #tpu.memory_space<vmem>> -> memref<128x128xf32, #tpu.memory_space<vmem>>
      %dma_wait3A_74 = arith.constant 0 : i32
      %dma_wait3A_75 = tpu.memref_slice %arg7[%dma_wait3A, %dma_wait3A_74] : memref<3x128xi32, #tpu.memory_space<vmem>> -> memref<1x128xi32, #tpu.memory_space<vmem>>
      %dma_wait3A_76 = tpu.memref_squeeze %dma_wait3A_75 : memref<1x128xi32, #tpu.memory_space<vmem>> -> memref<128xi32, #tpu.memory_space<vmem>>
      %dma_wait3A_77 = arith.constant 0 : i32
      %dma_wait3A_78 = arith.constant 0 : i32
      %dma_wait3A_79 = tpu.memref_slice %arg4[%dma_wait3A_77, %dma_wait3A_78] : memref<10240x128xf32, #tpu.memory_space<hbm>> -> memref<10240x128xf32, #tpu.memory_space<hbm>>
      tpu.wait_indirect_dma semaphore(%arg11 : memref<!tpu.dma_semaphore, #tpu.memory_space<semaphore_mem>>) src(%dma_wait3A_79 : memref<10240x128xf32, #tpu.memory_space<hbm>>) dst(%dma_wait3A_73 : memref<128x128xf32, #tpu.memory_space<vmem>>)
      %rem3A_80 = arith.constant 3 : i32
      %rem3A_81 = arith.remsi %scan3A_51, %rem3A_80 : i32
      "tpu.region"() ({
        %run_scoped3A_82 = tpu.sem_alloc : memref<!tpu.dma_semaphore, #tpu.memory_space<semaphore_mem>>
        %dma_start3A_83 = arith.constant 0 : i32
        %dma_start3A_84 = arith.constant 0 : i32
        %dma_start3A_85 = tpu.memref_slice %arg9[%rem3A_52, %dma_start3A_83, %dma_start3A_84] : memref<2x128x128xf32, #tpu.memory_space<vmem>> -> memref<1x128x128xf32, #tpu.memory_space<vmem>>
        %dma_start3A_86 = tpu.memref_squeeze %dma_start3A_85 : memref<1x128x128xf32, #tpu.memory_space<vmem>> -> memref<128x128xf32, #tpu.memory_space<vmem>>
        %dma_start3A_87 = arith.constant 0 : i32
        %dma_start3A_88 = tpu.memref_slice %arg8[%rem3A_81, %dma_start3A_87] : memref<3x128xi32, #tpu.memory_space<vmem>> -> memref<1x128xi32, #tpu.memory_space<vmem>>
        %dma_start3A_89 = tpu.memref_squeeze %dma_start3A_88 : memref<1x128xi32, #tpu.memory_space<vmem>> -> memref<128xi32, #tpu.memory_space<vmem>>
        %dma_start3A_90 = arith.constant 0 : i32
        %dma_start3A_91 = arith.constant 0 : i32
        %dma_start3A_92 = tpu.memref_slice %arg10[%dma_start3A_90, %dma_start3A_91] : memref<10240x128xf32, #tpu.memory_space<vmem_shared>> -> memref<10240x128xf32, #tpu.memory_space<vmem_shared>>
        tpu.enqueue_indirect_dma source(%dma_start3A_86 : memref<128x128xf32, #tpu.memory_space<vmem>>) target(%dma_start3A_92 : memref<10240x128xf32, #tpu.memory_space<vmem_shared>>) offsets(%dma_start3A_89 : memref<128xi32, #tpu.memory_space<vmem>>) semaphore(%run_scoped3A_82 : memref<!tpu.dma_semaphore, #tpu.memory_space<semaphore_mem>>) {add = true}
        %dma_wait3A_93 = arith.constant 0 : i32
        %dma_wait3A_94 = arith.constant 0 : i32
        %dma_wait3A_95 = tpu.memref_slice %arg9[%rem3A_52, %dma_wait3A_93, %dma_wait3A_94] : memref<2x128x128xf32, #tpu.memory_space<vmem>> -> memref<1x128x128xf32, #tpu.memory_space<vmem>>
        %dma_wait3A_96 = tpu.memref_squeeze %dma_wait3A_95 : memref<1x128x128xf32, #tpu.memory_space<vmem>> -> memref<128x128xf32, #tpu.memory_space<vmem>>
        %dma_wait3A_97 = arith.constant 0 : i32
        %dma_wait3A_98 = tpu.memref_slice %arg8[%rem3A_81, %dma_wait3A_97] : memref<3x128xi32, #tpu.memory_space<vmem>> -> memref<1x128xi32, #tpu.memory_space<vmem>>
        %dma_wait3A_99 = tpu.memref_squeeze %dma_wait3A_98 : memref<1x128xi32, #tpu.memory_space<vmem>> -> memref<128xi32, #tpu.memory_space<vmem>>
        %dma_wait3A_100 = arith.constant 0 : i32
        %dma_wait3A_101 = arith.constant 0 : i32
        %dma_wait3A_102 = tpu.memref_slice %arg10[%dma_wait3A_100, %dma_wait3A_101] : memref<10240x128xf32, #tpu.memory_space<vmem_shared>> -> memref<10240x128xf32, #tpu.memory_space<vmem_shared>>
        tpu.wait_indirect_dma semaphore(%run_scoped3A_82 : memref<!tpu.dma_semaphore, #tpu.memory_space<semaphore_mem>>) src(%dma_wait3A_96 : memref<128x128xf32, #tpu.memory_space<vmem>>) dst(%dma_wait3A_102 : memref<10240x128xf32, #tpu.memory_space<vmem_shared>>)
        tpu.yield
      }) : () -> ()
    }
    %scan3A_49 = arith.constant 79 : i32
    %barrier3A_50 = arith.constant 0 : index
    tpu.barrier barrier_id(%barrier3A_50)
    "tpu.region"() ({
      %run_scoped3A_51 = tpu.sem_alloc : memref<!tpu.dma_semaphore, #tpu.memory_space<semaphore_mem>>
      %dma_start3A_52 = arith.constant 0 : i32
      %dma_start3A_53 = tpu.memref_slice %arg6[%arg0, %multiple_of3A, %dma_start3A_52] : memref<2x10240x128xf32, #tpu.memory_space<hbm>> -> memref<1x640x128xf32, #tpu.memory_space<hbm>>
      %dma_start3A_54 = tpu.memref_squeeze %dma_start3A_53 : memref<1x640x128xf32, #tpu.memory_space<hbm>> -> memref<640x128xf32, #tpu.memory_space<hbm>>
      %dma_start3A_55 = arith.constant 0 : i32
      %dma_start3A_56 = tpu.memref_slice %arg10[%multiple_of3A, %dma_start3A_55] : memref<10240x128xf32, #tpu.memory_space<vmem_shared>> -> memref<640x128xf32, #tpu.memory_space<vmem_shared>>
      tpu.enqueue_dma source(%dma_start3A_56 : memref<640x128xf32, #tpu.memory_space<vmem_shared>>) target(%dma_start3A_54 : memref<640x128xf32, #tpu.memory_space<hbm>>) target_semaphore(%run_scoped3A_51 : memref<!tpu.dma_semaphore, #tpu.memory_space<semaphore_mem>>)
      %dma_wait3A = arith.constant 0 : i32
      %dma_wait3A_57 = tpu.memref_slice %arg6[%arg0, %multiple_of3A, %dma_wait3A] : memref<2x10240x128xf32, #tpu.memory_space<hbm>> -> memref<1x640x128xf32, #tpu.memory_space<hbm>>
      %dma_wait3A_58 = tpu.memref_squeeze %dma_wait3A_57 : memref<1x640x128xf32, #tpu.memory_space<hbm>> -> memref<640x128xf32, #tpu.memory_space<hbm>>
      %dma_wait3A_59 = arith.constant 0 : i32
      %dma_wait3A_60 = tpu.memref_slice %arg10[%multiple_of3A, %dma_wait3A_59] : memref<10240x128xf32, #tpu.memory_space<vmem_shared>> -> memref<640x128xf32, #tpu.memory_space<vmem_shared>>
      tpu.wait_dma2 semaphore(%run_scoped3A_51 : memref<!tpu.dma_semaphore, #tpu.memory_space<semaphore_mem>>) src(%dma_wait3A_60 : memref<640x128xf32, #tpu.memory_space<vmem_shared>>) dst(%dma_wait3A_58 : memref<640x128xf32, #tpu.memory_space<hbm>>)
      tpu.yield
    }) : () -> ()
    return
  }
}

#map = affine_map<(d0, d1) -> (0, 0, 0)>
#map1 = affine_map<(d0, d1) -> (0, 0)>
module attributes {stable_mosaic.version = 14 : i64} {
  func.func @_sc_step_body(%arg0: i32, %arg1: i32, %arg2: memref<32x79x128xi32, #tpu.memory_space<hbm>>, %arg3: memref<32x79x128xi32, #tpu.memory_space<hbm>>, %arg4: memref<10240x128xf32, #tpu.memory_space<hbm>>, %arg5: memref<10240x128xf32, #tpu.memory_space<hbm>>, %arg6: memref<2x10240x128xf32, #tpu.memory_space<hbm>>, %arg7: memref<3x128xi32, #tpu.memory_space<vmem>>, %arg8: memref<3x128xi32, #tpu.memory_space<vmem>>, %arg9: memref<2x128x128xf32, #tpu.memory_space<vmem>>, %arg10: memref<10240x128xf32, #tpu.memory_space<vmem_shared>>, %arg11: memref<!tpu.dma_semaphore, #tpu.memory_space<semaphore_mem>>, %arg12: memref<!tpu.dma_semaphore, #tpu.memory_space<semaphore_mem>>) attributes {dimension_semantics = [#tpu.dimension_semantics<core_parallel>, #tpu.dimension_semantics<subcore_parallel>], iteration_bounds = array<i64: 2, 16>, scalar_prefetch = 0 : i64, scratch_operands = 6 : i64, tpu.core_type = #tpu.core_type<sc_vector_subcore>, window_params = [{transform_indices = #map}, {transform_indices = #map}, {transform_indices = #map1}, {transform_indices = #map1}, {transform_indices = #map}]} {
    %mul3A = arith.constant 2 : i32
    %mul3A_0 = arith.muli %arg1, %mul3A : i32
    %add3A = arith.addi %mul3A_0, %arg0 : i32
    %mul3A_1 = arith.constant 640 : i32
    %mul3A_2 = arith.muli %arg1, %mul3A_1 : i32
    %multiple_of3A = tpu.assume_multiple %mul3A_2, 8 : i32
    "tpu.region"() ({
      %run_scoped3A_51 = tpu.sem_alloc : memref<!tpu.dma_semaphore, #tpu.memory_space<semaphore_mem>>
      %dma_start3A_52 = arith.constant 0 : i32
      %dma_start3A_53 = tpu.memref_slice %arg10[%multiple_of3A, %dma_start3A_52] : memref<10240x128xf32, #tpu.memory_space<vmem_shared>> -> memref<640x128xf32, #tpu.memory_space<vmem_shared>>
      %dma_start3A_54 = arith.constant 0 : i32
      %dma_start3A_55 = tpu.memref_slice %arg5[%multiple_of3A, %dma_start3A_54] : memref<10240x128xf32, #tpu.memory_space<hbm>> -> memref<640x128xf32, #tpu.memory_space<hbm>>
      tpu.enqueue_dma source(%dma_start3A_55 : memref<640x128xf32, #tpu.memory_space<hbm>>) target(%dma_start3A_53 : memref<640x128xf32, #tpu.memory_space<vmem_shared>>) target_semaphore(%run_scoped3A_51 : memref<!tpu.dma_semaphore, #tpu.memory_space<semaphore_mem>>)
      %dma_wait3A = arith.constant 0 : i32
      %dma_wait3A_56 = tpu.memref_slice %arg10[%multiple_of3A, %dma_wait3A] : memref<10240x128xf32, #tpu.memory_space<vmem_shared>> -> memref<640x128xf32, #tpu.memory_space<vmem_shared>>
      %dma_wait3A_57 = arith.constant 0 : i32
      %dma_wait3A_58 = tpu.memref_slice %arg5[%multiple_of3A, %dma_wait3A_57] : memref<10240x128xf32, #tpu.memory_space<hbm>> -> memref<640x128xf32, #tpu.memory_space<hbm>>
      tpu.wait_dma2 semaphore(%run_scoped3A_51 : memref<!tpu.dma_semaphore, #tpu.memory_space<semaphore_mem>>) src(%dma_wait3A_58 : memref<640x128xf32, #tpu.memory_space<hbm>>) dst(%dma_wait3A_56 : memref<640x128xf32, #tpu.memory_space<vmem_shared>>)
      tpu.yield
    }) : () -> ()
    %barrier3A = arith.constant 0 : index
    tpu.barrier barrier_id(%barrier3A)
    %run_scoped3A = arith.constant 0 : i32
    %run_scoped3A_3 = arith.constant 0 : i32
    "tpu.region"() ({
      %run_scoped3A_51 = tpu.sem_alloc : memref<!tpu.dma_semaphore, #tpu.memory_space<semaphore_mem>>
      %dma_start3A_52 = arith.constant 0 : i32
      %dma_start3A_53 = tpu.memref_slice %arg7[%run_scoped3A_3, %dma_start3A_52] : memref<3x128xi32, #tpu.memory_space<vmem>> -> memref<1x128xi32, #tpu.memory_space<vmem>>
      %dma_start3A_54 = tpu.memref_squeeze %dma_start3A_53 : memref<1x128xi32, #tpu.memory_space<vmem>> -> memref<128xi32, #tpu.memory_space<vmem>>
      %dma_start3A_55 = arith.constant 0 : i32
      %dma_start3A_56 = tpu.memref_slice %arg2[%add3A, %run_scoped3A, %dma_start3A_55] : memref<32x79x128xi32, #tpu.memory_space<hbm>> -> memref<1x1x128xi32, #tpu.memory_space<hbm>>
      %dma_start3A_57 = tpu.memref_squeeze %dma_start3A_56 : memref<1x1x128xi32, #tpu.memory_space<hbm>> -> memref<128xi32, #tpu.memory_space<hbm>>
      %dma_start3A_58 = arith.constant 0 : i32
      %dma_start3A_59 = tpu.memref_slice %arg7[%run_scoped3A_3, %dma_start3A_58] : memref<3x128xi32, #tpu.memory_space<vmem>> -> memref<1x128xi32, #tpu.memory_space<vmem>>
      %dma_start3A_60 = tpu.memref_squeeze %dma_start3A_59 : memref<1x128xi32, #tpu.memory_space<vmem>> -> memref<128xi32, #tpu.memory_space<vmem>>
      %dma_start3A_61 = arith.constant 0 : i32
      %dma_start3A_62 = tpu.memref_slice %arg2[%add3A, %run_scoped3A, %dma_start3A_61] : memref<32x79x128xi32, #tpu.memory_space<hbm>> -> memref<1x1x128xi32, #tpu.memory_space<hbm>>
      %dma_start3A_63 = tpu.memref_squeeze %dma_start3A_62 : memref<1x1x128xi32, #tpu.memory_space<hbm>> -> memref<128xi32, #tpu.memory_space<hbm>>
      tpu.enqueue_dma source(%dma_start3A_63 : memref<128xi32, #tpu.memory_space<hbm>>) target(%dma_start3A_60 : memref<128xi32, #tpu.memory_space<vmem>>) target_semaphore(%run_scoped3A_51 : memref<!tpu.dma_semaphore, #tpu.memory_space<semaphore_mem>>)
      %dma_wait3A = arith.constant 0 : i32
      %dma_wait3A_64 = tpu.memref_slice %arg7[%run_scoped3A_3, %dma_wait3A] : memref<3x128xi32, #tpu.memory_space<vmem>> -> memref<1x128xi32, #tpu.memory_space<vmem>>
      %dma_wait3A_65 = tpu.memref_squeeze %dma_wait3A_64 : memref<1x128xi32, #tpu.memory_space<vmem>> -> memref<128xi32, #tpu.memory_space<vmem>>
      %dma_wait3A_66 = arith.constant 0 : i32
      %dma_wait3A_67 = tpu.memref_slice %arg2[%add3A, %run_scoped3A, %dma_wait3A_66] : memref<32x79x128xi32, #tpu.memory_space<hbm>> -> memref<1x1x128xi32, #tpu.memory_space<hbm>>
      %dma_wait3A_68 = tpu.memref_squeeze %dma_wait3A_67 : memref<1x1x128xi32, #tpu.memory_space<hbm>> -> memref<128xi32, #tpu.memory_space<hbm>>
      %dma_wait3A_69 = arith.constant 0 : i32
      %dma_wait3A_70 = tpu.memref_slice %arg7[%run_scoped3A_3, %dma_wait3A_69] : memref<3x128xi32, #tpu.memory_space<vmem>> -> memref<1x128xi32, #tpu.memory_space<vmem>>
      %dma_wait3A_71 = tpu.memref_squeeze %dma_wait3A_70 : memref<1x128xi32, #tpu.memory_space<vmem>> -> memref<128xi32, #tpu.memory_space<vmem>>
      %dma_wait3A_72 = arith.constant 0 : i32
      %dma_wait3A_73 = tpu.memref_slice %arg2[%add3A, %run_scoped3A, %dma_wait3A_72] : memref<32x79x128xi32, #tpu.memory_space<hbm>> -> memref<1x1x128xi32, #tpu.memory_space<hbm>>
      %dma_wait3A_74 = tpu.memref_squeeze %dma_wait3A_73 : memref<1x1x128xi32, #tpu.memory_space<hbm>> -> memref<128xi32, #tpu.memory_space<hbm>>
      tpu.wait_dma2 semaphore(%run_scoped3A_51 : memref<!tpu.dma_semaphore, #tpu.memory_space<semaphore_mem>>) src(%dma_wait3A_74 : memref<128xi32, #tpu.memory_space<hbm>>) dst(%dma_wait3A_71 : memref<128xi32, #tpu.memory_space<vmem>>)
      tpu.yield
    }) : () -> ()
    %run_scoped3A_4 = arith.constant 0 : i32
    %run_scoped3A_5 = arith.constant 0 : i32
    "tpu.region"() ({
      %run_scoped3A_51 = tpu.sem_alloc : memref<!tpu.dma_semaphore, #tpu.memory_space<semaphore_mem>>
      %dma_start3A_52 = arith.constant 0 : i32
      %dma_start3A_53 = tpu.memref_slice %arg8[%run_scoped3A_5, %dma_start3A_52] : memref<3x128xi32, #tpu.memory_space<vmem>> -> memref<1x128xi32, #tpu.memory_space<vmem>>
      %dma_start3A_54 = tpu.memref_squeeze %dma_start3A_53 : memref<1x128xi32, #tpu.memory_space<vmem>> -> memref<128xi32, #tpu.memory_space<vmem>>
      %dma_start3A_55 = arith.constant 0 : i32
      %dma_start3A_56 = tpu.memref_slice %arg3[%add3A, %run_scoped3A_4, %dma_start3A_55] : memref<32x79x128xi32, #tpu.memory_space<hbm>> -> memref<1x1x128xi32, #tpu.memory_space<hbm>>
      %dma_start3A_57 = tpu.memref_squeeze %dma_start3A_56 : memref<1x1x128xi32, #tpu.memory_space<hbm>> -> memref<128xi32, #tpu.memory_space<hbm>>
      %dma_start3A_58 = arith.constant 0 : i32
      %dma_start3A_59 = tpu.memref_slice %arg8[%run_scoped3A_5, %dma_start3A_58] : memref<3x128xi32, #tpu.memory_space<vmem>> -> memref<1x128xi32, #tpu.memory_space<vmem>>
      %dma_start3A_60 = tpu.memref_squeeze %dma_start3A_59 : memref<1x128xi32, #tpu.memory_space<vmem>> -> memref<128xi32, #tpu.memory_space<vmem>>
      %dma_start3A_61 = arith.constant 0 : i32
      %dma_start3A_62 = tpu.memref_slice %arg3[%add3A, %run_scoped3A_4, %dma_start3A_61] : memref<32x79x128xi32, #tpu.memory_space<hbm>> -> memref<1x1x128xi32, #tpu.memory_space<hbm>>
      %dma_start3A_63 = tpu.memref_squeeze %dma_start3A_62 : memref<1x1x128xi32, #tpu.memory_space<hbm>> -> memref<128xi32, #tpu.memory_space<hbm>>
      tpu.enqueue_dma source(%dma_start3A_63 : memref<128xi32, #tpu.memory_space<hbm>>) target(%dma_start3A_60 : memref<128xi32, #tpu.memory_space<vmem>>) target_semaphore(%run_scoped3A_51 : memref<!tpu.dma_semaphore, #tpu.memory_space<semaphore_mem>>)
      %dma_wait3A = arith.constant 0 : i32
      %dma_wait3A_64 = tpu.memref_slice %arg8[%run_scoped3A_5, %dma_wait3A] : memref<3x128xi32, #tpu.memory_space<vmem>> -> memref<1x128xi32, #tpu.memory_space<vmem>>
      %dma_wait3A_65 = tpu.memref_squeeze %dma_wait3A_64 : memref<1x128xi32, #tpu.memory_space<vmem>> -> memref<128xi32, #tpu.memory_space<vmem>>
      %dma_wait3A_66 = arith.constant 0 : i32
      %dma_wait3A_67 = tpu.memref_slice %arg3[%add3A, %run_scoped3A_4, %dma_wait3A_66] : memref<32x79x128xi32, #tpu.memory_space<hbm>> -> memref<1x1x128xi32, #tpu.memory_space<hbm>>
      %dma_wait3A_68 = tpu.memref_squeeze %dma_wait3A_67 : memref<1x1x128xi32, #tpu.memory_space<hbm>> -> memref<128xi32, #tpu.memory_space<hbm>>
      %dma_wait3A_69 = arith.constant 0 : i32
      %dma_wait3A_70 = tpu.memref_slice %arg8[%run_scoped3A_5, %dma_wait3A_69] : memref<3x128xi32, #tpu.memory_space<vmem>> -> memref<1x128xi32, #tpu.memory_space<vmem>>
      %dma_wait3A_71 = tpu.memref_squeeze %dma_wait3A_70 : memref<1x128xi32, #tpu.memory_space<vmem>> -> memref<128xi32, #tpu.memory_space<vmem>>
      %dma_wait3A_72 = arith.constant 0 : i32
      %dma_wait3A_73 = tpu.memref_slice %arg3[%add3A, %run_scoped3A_4, %dma_wait3A_72] : memref<32x79x128xi32, #tpu.memory_space<hbm>> -> memref<1x1x128xi32, #tpu.memory_space<hbm>>
      %dma_wait3A_74 = tpu.memref_squeeze %dma_wait3A_73 : memref<1x1x128xi32, #tpu.memory_space<hbm>> -> memref<128xi32, #tpu.memory_space<hbm>>
      tpu.wait_dma2 semaphore(%run_scoped3A_51 : memref<!tpu.dma_semaphore, #tpu.memory_space<semaphore_mem>>) src(%dma_wait3A_74 : memref<128xi32, #tpu.memory_space<hbm>>) dst(%dma_wait3A_71 : memref<128xi32, #tpu.memory_space<vmem>>)
      tpu.yield
    }) : () -> ()
    %dma_start3A = arith.constant 0 : i32
    %dma_start3A_6 = arith.constant 0 : i32
    %dma_start3A_7 = arith.constant 0 : i32
    %dma_start3A_8 = arith.constant 0 : i32
    %dma_start3A_9 = tpu.memref_slice %arg9[%dma_start3A_6, %dma_start3A_7, %dma_start3A_8] : memref<2x128x128xf32, #tpu.memory_space<vmem>> -> memref<1x128x128xf32, #tpu.memory_space<vmem>>
    %dma_start3A_10 = tpu.memref_squeeze %dma_start3A_9 : memref<1x128x128xf32, #tpu.memory_space<vmem>> -> memref<128x128xf32, #tpu.memory_space<vmem>>
    %dma_start3A_11 = arith.constant 0 : i32
    %dma_start3A_12 = tpu.memref_slice %arg7[%dma_start3A, %dma_start3A_11] : memref<3x128xi32, #tpu.memory_space<vmem>> -> memref<1x128xi32, #tpu.memory_space<vmem>>
    %dma_start3A_13 = tpu.memref_squeeze %dma_start3A_12 : memref<1x128xi32, #tpu.memory_space<vmem>> -> memref<128xi32, #tpu.memory_space<vmem>>
    %dma_start3A_14 = arith.constant 0 : i32
    %dma_start3A_15 = arith.constant 0 : i32
    %dma_start3A_16 = tpu.memref_slice %arg4[%dma_start3A_14, %dma_start3A_15] : memref<10240x128xf32, #tpu.memory_space<hbm>> -> memref<10240x128xf32, #tpu.memory_space<hbm>>
    tpu.enqueue_indirect_dma source(%dma_start3A_16 : memref<10240x128xf32, #tpu.memory_space<hbm>>) target(%dma_start3A_10 : memref<128x128xf32, #tpu.memory_space<vmem>>) offsets(%dma_start3A_13 : memref<128xi32, #tpu.memory_space<vmem>>) semaphore(%arg11 : memref<!tpu.dma_semaphore, #tpu.memory_space<semaphore_mem>>)
    %dma_start3A_17 = arith.constant 1 : i32
    %dma_start3A_18 = arith.constant 1 : i32
    %dma_start3A_19 = arith.constant 0 : i32
    %dma_start3A_20 = tpu.memref_slice %arg7[%dma_start3A_18, %dma_start3A_19] : memref<3x128xi32, #tpu.memory_space<vmem>> -> memref<1x128xi32, #tpu.memory_space<vmem>>
    %dma_start3A_21 = tpu.memref_squeeze %dma_start3A_20 : memref<1x128xi32, #tpu.memory_space<vmem>> -> memref<128xi32, #tpu.memory_space<vmem>>
    %dma_start3A_22 = arith.constant 0 : i32
    %dma_start3A_23 = tpu.memref_slice %arg2[%add3A, %dma_start3A_17, %dma_start3A_22] : memref<32x79x128xi32, #tpu.memory_space<hbm>> -> memref<1x1x128xi32, #tpu.memory_space<hbm>>
    %dma_start3A_24 = tpu.memref_squeeze %dma_start3A_23 : memref<1x1x128xi32, #tpu.memory_space<hbm>> -> memref<128xi32, #tpu.memory_space<hbm>>
    %dma_start3A_25 = arith.constant 0 : i32
    %dma_start3A_26 = tpu.memref_slice %arg7[%dma_start3A_18, %dma_start3A_25] : memref<3x128xi32, #tpu.memory_space<vmem>> -> memref<1x128xi32, #tpu.memory_space<vmem>>
    %dma_start3A_27 = tpu.memref_squeeze %dma_start3A_26 : memref<1x128xi32, #tpu.memory_space<vmem>> -> memref<128xi32, #tpu.memory_space<vmem>>
    %dma_start3A_28 = arith.constant 0 : i32
    %dma_start3A_29 = tpu.memref_slice %arg2[%add3A, %dma_start3A_17, %dma_start3A_28] : memref<32x79x128xi32, #tpu.memory_space<hbm>> -> memref<1x1x128xi32, #tpu.memory_space<hbm>>
    %dma_start3A_30 = tpu.memref_squeeze %dma_start3A_29 : memref<1x1x128xi32, #tpu.memory_space<hbm>> -> memref<128xi32, #tpu.memory_space<hbm>>
    tpu.enqueue_dma source(%dma_start3A_30 : memref<128xi32, #tpu.memory_space<hbm>>) target(%dma_start3A_27 : memref<128xi32, #tpu.memory_space<vmem>>) target_semaphore(%arg12 : memref<!tpu.dma_semaphore, #tpu.memory_space<semaphore_mem>>)
    %dma_start3A_31 = arith.constant 1 : i32
    %dma_start3A_32 = arith.constant 1 : i32
    %dma_start3A_33 = arith.constant 0 : i32
    %dma_start3A_34 = tpu.memref_slice %arg8[%dma_start3A_32, %dma_start3A_33] : memref<3x128xi32, #tpu.memory_space<vmem>> -> memref<1x128xi32, #tpu.memory_space<vmem>>
    %dma_start3A_35 = tpu.memref_squeeze %dma_start3A_34 : memref<1x128xi32, #tpu.memory_space<vmem>> -> memref<128xi32, #tpu.memory_space<vmem>>
    %dma_start3A_36 = arith.constant 0 : i32
    %dma_start3A_37 = tpu.memref_slice %arg3[%add3A, %dma_start3A_31, %dma_start3A_36] : memref<32x79x128xi32, #tpu.memory_space<hbm>> -> memref<1x1x128xi32, #tpu.memory_space<hbm>>
    %dma_start3A_38 = tpu.memref_squeeze %dma_start3A_37 : memref<1x1x128xi32, #tpu.memory_space<hbm>> -> memref<128xi32, #tpu.memory_space<hbm>>
    %dma_start3A_39 = arith.constant 0 : i32
    %dma_start3A_40 = tpu.memref_slice %arg8[%dma_start3A_32, %dma_start3A_39] : memref<3x128xi32, #tpu.memory_space<vmem>> -> memref<1x128xi32, #tpu.memory_space<vmem>>
    %dma_start3A_41 = tpu.memref_squeeze %dma_start3A_40 : memref<1x128xi32, #tpu.memory_space<vmem>> -> memref<128xi32, #tpu.memory_space<vmem>>
    %dma_start3A_42 = arith.constant 0 : i32
    %dma_start3A_43 = tpu.memref_slice %arg3[%add3A, %dma_start3A_31, %dma_start3A_42] : memref<32x79x128xi32, #tpu.memory_space<hbm>> -> memref<1x1x128xi32, #tpu.memory_space<hbm>>
    %dma_start3A_44 = tpu.memref_squeeze %dma_start3A_43 : memref<1x1x128xi32, #tpu.memory_space<hbm>> -> memref<128xi32, #tpu.memory_space<hbm>>
    tpu.enqueue_dma source(%dma_start3A_44 : memref<128xi32, #tpu.memory_space<hbm>>) target(%dma_start3A_41 : memref<128xi32, #tpu.memory_space<vmem>>) target_semaphore(%arg12 : memref<!tpu.dma_semaphore, #tpu.memory_space<semaphore_mem>>)
    %scan3A = arith.constant 0 : i32
    %scan3A_45 = arith.constant 0 : i32
    %scan3A_46 = arith.constant 79 : i32
    %scan3A_47 = arith.addi %scan3A_45, %scan3A_46 : i32
    %scan3A_48 = arith.constant 1 : i32
    scf.for %scan3A_51 = %scan3A_45 to %scan3A_47 step %scan3A_48  : i32 {
      %rem3A = arith.constant 2 : i32
      %rem3A_52 = arith.remsi %scan3A_51, %rem3A : i32
      %add3A_53 = arith.constant 1 : i32
      %add3A_54 = arith.addi %scan3A_51, %add3A_53 : i32
      %rem3A_55 = arith.constant 2 : i32
      %rem3A_56 = arith.remsi %add3A_54, %rem3A_55 : i32
      %add3A_57 = arith.constant 1 : i32
      %add3A_58 = arith.addi %scan3A_51, %add3A_57 : i32
      %rem3A_59 = arith.constant 3 : i32
      %rem3A_60 = arith.remsi %add3A_58, %rem3A_59 : i32
      %add3A_61 = arith.constant 2 : i32
      %add3A_62 = arith.addi %scan3A_51, %add3A_61 : i32
      %rem3A_63 = arith.constant 3 : i32
      %rem3A_64 = arith.remsi %add3A_62, %rem3A_63 : i32
      %add3A_65 = arith.constant 1 : i32
      %add3A_66 = arith.addi %scan3A_51, %add3A_65 : i32
      %lt3A = arith.constant 79 : i32
      %lt3A_67 = arith.cmpi slt, %add3A_66, %lt3A : i32
      %convert_element_type3A = arith.extui %lt3A_67 : i1 to i32
      %cond3A = arith.constant 0 : i32
      %cond3A_68 = arith.cmpi ne, %convert_element_type3A, %cond3A : i32
      scf.if %cond3A_68 {
        %dma_wait3A_82 = arith.constant 0 : i32
        %dma_wait3A_83 = arith.constant 0 : i32
        %dma_wait3A_84 = arith.constant 0 : i32
        %dma_wait3A_85 = tpu.memref_slice %arg7[%dma_wait3A_83, %dma_wait3A_84] : memref<3x128xi32, #tpu.memory_space<vmem>> -> memref<1x128xi32, #tpu.memory_space<vmem>>
        %dma_wait3A_86 = tpu.memref_squeeze %dma_wait3A_85 : memref<1x128xi32, #tpu.memory_space<vmem>> -> memref<128xi32, #tpu.memory_space<vmem>>
        %dma_wait3A_87 = arith.constant 0 : i32
        %dma_wait3A_88 = tpu.memref_slice %arg2[%add3A, %dma_wait3A_82, %dma_wait3A_87] : memref<32x79x128xi32, #tpu.memory_space<hbm>> -> memref<1x1x128xi32, #tpu.memory_space<hbm>>
        %dma_wait3A_89 = tpu.memref_squeeze %dma_wait3A_88 : memref<1x1x128xi32, #tpu.memory_space<hbm>> -> memref<128xi32, #tpu.memory_space<hbm>>
        %dma_wait3A_90 = arith.constant 0 : i32
        %dma_wait3A_91 = tpu.memref_slice %arg7[%dma_wait3A_83, %dma_wait3A_90] : memref<3x128xi32, #tpu.memory_space<vmem>> -> memref<1x128xi32, #tpu.memory_space<vmem>>
        %dma_wait3A_92 = tpu.memref_squeeze %dma_wait3A_91 : memref<1x128xi32, #tpu.memory_space<vmem>> -> memref<128xi32, #tpu.memory_space<vmem>>
        %dma_wait3A_93 = arith.constant 0 : i32
        %dma_wait3A_94 = tpu.memref_slice %arg2[%add3A, %dma_wait3A_82, %dma_wait3A_93] : memref<32x79x128xi32, #tpu.memory_space<hbm>> -> memref<1x1x128xi32, #tpu.memory_space<hbm>>
        %dma_wait3A_95 = tpu.memref_squeeze %dma_wait3A_94 : memref<1x1x128xi32, #tpu.memory_space<hbm>> -> memref<128xi32, #tpu.memory_space<hbm>>
        tpu.wait_dma2 semaphore(%arg12 : memref<!tpu.dma_semaphore, #tpu.memory_space<semaphore_mem>>) src(%dma_wait3A_95 : memref<128xi32, #tpu.memory_space<hbm>>) dst(%dma_wait3A_92 : memref<128xi32, #tpu.memory_space<vmem>>)
        %dma_wait3A_96 = arith.constant 0 : i32
        %dma_wait3A_97 = arith.constant 0 : i32
        %dma_wait3A_98 = arith.constant 0 : i32
        %dma_wait3A_99 = tpu.memref_slice %arg8[%dma_wait3A_97, %dma_wait3A_98] : memref<3x128xi32, #tpu.memory_space<vmem>> -> memref<1x128xi32, #tpu.memory_space<vmem>>
        %dma_wait3A_100 = tpu.memref_squeeze %dma_wait3A_99 : memref<1x128xi32, #tpu.memory_space<vmem>> -> memref<128xi32, #tpu.memory_space<vmem>>
        %dma_wait3A_101 = arith.constant 0 : i32
        %dma_wait3A_102 = tpu.memref_slice %arg3[%add3A, %dma_wait3A_96, %dma_wait3A_101] : memref<32x79x128xi32, #tpu.memory_space<hbm>> -> memref<1x1x128xi32, #tpu.memory_space<hbm>>
        %dma_wait3A_103 = tpu.memref_squeeze %dma_wait3A_102 : memref<1x1x128xi32, #tpu.memory_space<hbm>> -> memref<128xi32, #tpu.memory_space<hbm>>
        %dma_wait3A_104 = arith.constant 0 : i32
        %dma_wait3A_105 = tpu.memref_slice %arg8[%dma_wait3A_97, %dma_wait3A_104] : memref<3x128xi32, #tpu.memory_space<vmem>> -> memref<1x128xi32, #tpu.memory_space<vmem>>
        %dma_wait3A_106 = tpu.memref_squeeze %dma_wait3A_105 : memref<1x128xi32, #tpu.memory_space<vmem>> -> memref<128xi32, #tpu.memory_space<vmem>>
        %dma_wait3A_107 = arith.constant 0 : i32
        %dma_wait3A_108 = tpu.memref_slice %arg3[%add3A, %dma_wait3A_96, %dma_wait3A_107] : memref<32x79x128xi32, #tpu.memory_space<hbm>> -> memref<1x1x128xi32, #tpu.memory_space<hbm>>
        %dma_wait3A_109 = tpu.memref_squeeze %dma_wait3A_108 : memref<1x1x128xi32, #tpu.memory_space<hbm>> -> memref<128xi32, #tpu.memory_space<hbm>>
        tpu.wait_dma2 semaphore(%arg12 : memref<!tpu.dma_semaphore, #tpu.memory_space<semaphore_mem>>) src(%dma_wait3A_109 : memref<128xi32, #tpu.memory_space<hbm>>) dst(%dma_wait3A_106 : memref<128xi32, #tpu.memory_space<vmem>>)
        %dma_start3A_110 = arith.constant 0 : i32
        %dma_start3A_111 = arith.constant 0 : i32
        %dma_start3A_112 = tpu.memref_slice %arg9[%rem3A_56, %dma_start3A_110, %dma_start3A_111] : memref<2x128x128xf32, #tpu.memory_space<vmem>> -> memref<1x128x128xf32, #tpu.memory_space<vmem>>
        %dma_start3A_113 = tpu.memref_squeeze %dma_start3A_112 : memref<1x128x128xf32, #tpu.memory_space<vmem>> -> memref<128x128xf32, #tpu.memory_space<vmem>>
        %dma_start3A_114 = arith.constant 0 : i32
        %dma_start3A_115 = tpu.memref_slice %arg7[%rem3A_60, %dma_start3A_114] : memref<3x128xi32, #tpu.memory_space<vmem>> -> memref<1x128xi32, #tpu.memory_space<vmem>>
        %dma_start3A_116 = tpu.memref_squeeze %dma_start3A_115 : memref<1x128xi32, #tpu.memory_space<vmem>> -> memref<128xi32, #tpu.memory_space<vmem>>
        %dma_start3A_117 = arith.constant 0 : i32
        %dma_start3A_118 = arith.constant 0 : i32
        %dma_start3A_119 = tpu.memref_slice %arg4[%dma_start3A_117, %dma_start3A_118] : memref<10240x128xf32, #tpu.memory_space<hbm>> -> memref<10240x128xf32, #tpu.memory_space<hbm>>
        tpu.enqueue_indirect_dma source(%dma_start3A_119 : memref<10240x128xf32, #tpu.memory_space<hbm>>) target(%dma_start3A_113 : memref<128x128xf32, #tpu.memory_space<vmem>>) offsets(%dma_start3A_116 : memref<128xi32, #tpu.memory_space<vmem>>) semaphore(%arg11 : memref<!tpu.dma_semaphore, #tpu.memory_space<semaphore_mem>>)
        %add3A_120 = arith.constant 2 : i32
        %add3A_121 = arith.addi %scan3A_51, %add3A_120 : i32
        %lt3A_122 = arith.constant 79 : i32
        %lt3A_123 = arith.cmpi slt, %add3A_121, %lt3A_122 : i32
        %convert_element_type3A_124 = arith.extui %lt3A_123 : i1 to i32
        %cond3A_125 = arith.constant 0 : i32
        %cond3A_126 = arith.cmpi ne, %convert_element_type3A_124, %cond3A_125 : i32
        scf.if %cond3A_126 {
          %add3A_127 = arith.constant 2 : i32
          %add3A_128 = arith.addi %scan3A_51, %add3A_127 : i32
          %dma_start3A_129 = arith.constant 0 : i32
          %dma_start3A_130 = tpu.memref_slice %arg7[%rem3A_64, %dma_start3A_129] : memref<3x128xi32, #tpu.memory_space<vmem>> -> memref<1x128xi32, #tpu.memory_space<vmem>>
          %dma_start3A_131 = tpu.memref_squeeze %dma_start3A_130 : memref<1x128xi32, #tpu.memory_space<vmem>> -> memref<128xi32, #tpu.memory_space<vmem>>
          %dma_start3A_132 = arith.constant 0 : i32
          %dma_start3A_133 = tpu.memref_slice %arg2[%add3A, %add3A_128, %dma_start3A_132] : memref<32x79x128xi32, #tpu.memory_space<hbm>> -> memref<1x1x128xi32, #tpu.memory_space<hbm>>
          %dma_start3A_134 = tpu.memref_squeeze %dma_start3A_133 : memref<1x1x128xi32, #tpu.memory_space<hbm>> -> memref<128xi32, #tpu.memory_space<hbm>>
          %dma_start3A_135 = arith.constant 0 : i32
          %dma_start3A_136 = tpu.memref_slice %arg7[%rem3A_64, %dma_start3A_135] : memref<3x128xi32, #tpu.memory_space<vmem>> -> memref<1x128xi32, #tpu.memory_space<vmem>>
          %dma_start3A_137 = tpu.memref_squeeze %dma_start3A_136 : memref<1x128xi32, #tpu.memory_space<vmem>> -> memref<128xi32, #tpu.memory_space<vmem>>
          %dma_start3A_138 = arith.constant 0 : i32
          %dma_start3A_139 = tpu.memref_slice %arg2[%add3A, %add3A_128, %dma_start3A_138] : memref<32x79x128xi32, #tpu.memory_space<hbm>> -> memref<1x1x128xi32, #tpu.memory_space<hbm>>
          %dma_start3A_140 = tpu.memref_squeeze %dma_start3A_139 : memref<1x1x128xi32, #tpu.memory_space<hbm>> -> memref<128xi32, #tpu.memory_space<hbm>>
          tpu.enqueue_dma source(%dma_start3A_140 : memref<128xi32, #tpu.memory_space<hbm>>) target(%dma_start3A_137 : memref<128xi32, #tpu.memory_space<vmem>>) target_semaphore(%arg12 : memref<!tpu.dma_semaphore, #tpu.memory_space<semaphore_mem>>)
          %add3A_141 = arith.constant 2 : i32
          %add3A_142 = arith.addi %scan3A_51, %add3A_141 : i32
          %dma_start3A_143 = arith.constant 0 : i32
          %dma_start3A_144 = tpu.memref_slice %arg8[%rem3A_64, %dma_start3A_143] : memref<3x128xi32, #tpu.memory_space<vmem>> -> memref<1x128xi32, #tpu.memory_space<vmem>>
          %dma_start3A_145 = tpu.memref_squeeze %dma_start3A_144 : memref<1x128xi32, #tpu.memory_space<vmem>> -> memref<128xi32, #tpu.memory_space<vmem>>
          %dma_start3A_146 = arith.constant 0 : i32
          %dma_start3A_147 = tpu.memref_slice %arg3[%add3A, %add3A_142, %dma_start3A_146] : memref<32x79x128xi32, #tpu.memory_space<hbm>> -> memref<1x1x128xi32, #tpu.memory_space<hbm>>
          %dma_start3A_148 = tpu.memref_squeeze %dma_start3A_147 : memref<1x1x128xi32, #tpu.memory_space<hbm>> -> memref<128xi32, #tpu.memory_space<hbm>>
          %dma_start3A_149 = arith.constant 0 : i32
          %dma_start3A_150 = tpu.memref_slice %arg8[%rem3A_64, %dma_start3A_149] : memref<3x128xi32, #tpu.memory_space<vmem>> -> memref<1x128xi32, #tpu.memory_space<vmem>>
          %dma_start3A_151 = tpu.memref_squeeze %dma_start3A_150 : memref<1x128xi32, #tpu.memory_space<vmem>> -> memref<128xi32, #tpu.memory_space<vmem>>
          %dma_start3A_152 = arith.constant 0 : i32
          %dma_start3A_153 = tpu.memref_slice %arg3[%add3A, %add3A_142, %dma_start3A_152] : memref<32x79x128xi32, #tpu.memory_space<hbm>> -> memref<1x1x128xi32, #tpu.memory_space<hbm>>
          %dma_start3A_154 = tpu.memref_squeeze %dma_start3A_153 : memref<1x1x128xi32, #tpu.memory_space<hbm>> -> memref<128xi32, #tpu.memory_space<hbm>>
          tpu.enqueue_dma source(%dma_start3A_154 : memref<128xi32, #tpu.memory_space<hbm>>) target(%dma_start3A_151 : memref<128xi32, #tpu.memory_space<vmem>>) target_semaphore(%arg12 : memref<!tpu.dma_semaphore, #tpu.memory_space<semaphore_mem>>)
        } else {
        }
      } else {
      }
      %dma_wait3A = arith.constant 0 : i32
      %dma_wait3A_69 = arith.constant 0 : i32
      %dma_wait3A_70 = arith.constant 0 : i32
      %dma_wait3A_71 = arith.constant 0 : i32
      %dma_wait3A_72 = tpu.memref_slice %arg9[%dma_wait3A_69, %dma_wait3A_70, %dma_wait3A_71] : memref<2x128x128xf32, #tpu.memory_space<vmem>> -> memref<1x128x128xf32, #tpu.memory_space<vmem>>
      %dma_wait3A_73 = tpu.memref_squeeze %dma_wait3A_72 : memref<1x128x128xf32, #tpu.memory_space<vmem>> -> memref<128x128xf32, #tpu.memory_space<vmem>>
      %dma_wait3A_74 = arith.constant 0 : i32
      %dma_wait3A_75 = tpu.memref_slice %arg7[%dma_wait3A, %dma_wait3A_74] : memref<3x128xi32, #tpu.memory_space<vmem>> -> memref<1x128xi32, #tpu.memory_space<vmem>>
      %dma_wait3A_76 = tpu.memref_squeeze %dma_wait3A_75 : memref<1x128xi32, #tpu.memory_space<vmem>> -> memref<128xi32, #tpu.memory_space<vmem>>
      %dma_wait3A_77 = arith.constant 0 : i32
      %dma_wait3A_78 = arith.constant 0 : i32
      %dma_wait3A_79 = tpu.memref_slice %arg4[%dma_wait3A_77, %dma_wait3A_78] : memref<10240x128xf32, #tpu.memory_space<hbm>> -> memref<10240x128xf32, #tpu.memory_space<hbm>>
      tpu.wait_indirect_dma semaphore(%arg11 : memref<!tpu.dma_semaphore, #tpu.memory_space<semaphore_mem>>) src(%dma_wait3A_79 : memref<10240x128xf32, #tpu.memory_space<hbm>>) dst(%dma_wait3A_73 : memref<128x128xf32, #tpu.memory_space<vmem>>)
      %rem3A_80 = arith.constant 3 : i32
      %rem3A_81 = arith.remsi %scan3A_51, %rem3A_80 : i32
      "tpu.region"() ({
        %run_scoped3A_82 = tpu.sem_alloc : memref<!tpu.dma_semaphore, #tpu.memory_space<semaphore_mem>>
        %dma_start3A_83 = arith.constant 0 : i32
        %dma_start3A_84 = arith.constant 0 : i32
        %dma_start3A_85 = tpu.memref_slice %arg9[%rem3A_52, %dma_start3A_83, %dma_start3A_84] : memref<2x128x128xf32, #tpu.memory_space<vmem>> -> memref<1x128x128xf32, #tpu.memory_space<vmem>>
        %dma_start3A_86 = tpu.memref_squeeze %dma_start3A_85 : memref<1x128x128xf32, #tpu.memory_space<vmem>> -> memref<128x128xf32, #tpu.memory_space<vmem>>
        %dma_start3A_87 = arith.constant 0 : i32
        %dma_start3A_88 = tpu.memref_slice %arg8[%rem3A_81, %dma_start3A_87] : memref<3x128xi32, #tpu.memory_space<vmem>> -> memref<1x128xi32, #tpu.memory_space<vmem>>
        %dma_start3A_89 = tpu.memref_squeeze %dma_start3A_88 : memref<1x128xi32, #tpu.memory_space<vmem>> -> memref<128xi32, #tpu.memory_space<vmem>>
        %dma_start3A_90 = arith.constant 0 : i32
        %dma_start3A_91 = arith.constant 0 : i32
        %dma_start3A_92 = tpu.memref_slice %arg10[%dma_start3A_90, %dma_start3A_91] : memref<10240x128xf32, #tpu.memory_space<vmem_shared>> -> memref<10240x128xf32, #tpu.memory_space<vmem_shared>>
        tpu.enqueue_indirect_dma source(%dma_start3A_86 : memref<128x128xf32, #tpu.memory_space<vmem>>) target(%dma_start3A_92 : memref<10240x128xf32, #tpu.memory_space<vmem_shared>>) offsets(%dma_start3A_89 : memref<128xi32, #tpu.memory_space<vmem>>) semaphore(%run_scoped3A_82 : memref<!tpu.dma_semaphore, #tpu.memory_space<semaphore_mem>>) {add = true}
        %dma_wait3A_93 = arith.constant 0 : i32
        %dma_wait3A_94 = arith.constant 0 : i32
        %dma_wait3A_95 = tpu.memref_slice %arg9[%rem3A_52, %dma_wait3A_93, %dma_wait3A_94] : memref<2x128x128xf32, #tpu.memory_space<vmem>> -> memref<1x128x128xf32, #tpu.memory_space<vmem>>
        %dma_wait3A_96 = tpu.memref_squeeze %dma_wait3A_95 : memref<1x128x128xf32, #tpu.memory_space<vmem>> -> memref<128x128xf32, #tpu.memory_space<vmem>>
        %dma_wait3A_97 = arith.constant 0 : i32
        %dma_wait3A_98 = tpu.memref_slice %arg8[%rem3A_81, %dma_wait3A_97] : memref<3x128xi32, #tpu.memory_space<vmem>> -> memref<1x128xi32, #tpu.memory_space<vmem>>
        %dma_wait3A_99 = tpu.memref_squeeze %dma_wait3A_98 : memref<1x128xi32, #tpu.memory_space<vmem>> -> memref<128xi32, #tpu.memory_space<vmem>>
        %dma_wait3A_100 = arith.constant 0 : i32
        %dma_wait3A_101 = arith.constant 0 : i32
        %dma_wait3A_102 = tpu.memref_slice %arg10[%dma_wait3A_100, %dma_wait3A_101] : memref<10240x128xf32, #tpu.memory_space<vmem_shared>> -> memref<10240x128xf32, #tpu.memory_space<vmem_shared>>
        tpu.wait_indirect_dma semaphore(%run_scoped3A_82 : memref<!tpu.dma_semaphore, #tpu.memory_space<semaphore_mem>>) src(%dma_wait3A_96 : memref<128x128xf32, #tpu.memory_space<vmem>>) dst(%dma_wait3A_102 : memref<10240x128xf32, #tpu.memory_space<vmem_shared>>)
        tpu.yield
      }) : () -> ()
    }
    %scan3A_49 = arith.constant 79 : i32
    %barrier3A_50 = arith.constant 0 : index
    tpu.barrier barrier_id(%barrier3A_50)
    "tpu.region"() ({
      %run_scoped3A_51 = tpu.sem_alloc : memref<!tpu.dma_semaphore, #tpu.memory_space<semaphore_mem>>
      %dma_start3A_52 = arith.constant 0 : i32
      %dma_start3A_53 = tpu.memref_slice %arg6[%arg0, %multiple_of3A, %dma_start3A_52] : memref<2x10240x128xf32, #tpu.memory_space<hbm>> -> memref<1x640x128xf32, #tpu.memory_space<hbm>>
      %dma_start3A_54 = tpu.memref_squeeze %dma_start3A_53 : memref<1x640x128xf32, #tpu.memory_space<hbm>> -> memref<640x128xf32, #tpu.memory_space<hbm>>
      %dma_start3A_55 = arith.constant 0 : i32
      %dma_start3A_56 = tpu.memref_slice %arg10[%multiple_of3A, %dma_start3A_55] : memref<10240x128xf32, #tpu.memory_space<vmem_shared>> -> memref<640x128xf32, #tpu.memory_space<vmem_shared>>
      tpu.enqueue_dma source(%dma_start3A_56 : memref<640x128xf32, #tpu.memory_space<vmem_shared>>) target(%dma_start3A_54 : memref<640x128xf32, #tpu.memory_space<hbm>>) target_semaphore(%run_scoped3A_51 : memref<!tpu.dma_semaphore, #tpu.memory_space<semaphore_mem>>)
      %dma_wait3A = arith.constant 0 : i32
      %dma_wait3A_57 = tpu.memref_slice %arg6[%arg0, %multiple_of3A, %dma_wait3A] : memref<2x10240x128xf32, #tpu.memory_space<hbm>> -> memref<1x640x128xf32, #tpu.memory_space<hbm>>
      %dma_wait3A_58 = tpu.memref_squeeze %dma_wait3A_57 : memref<1x640x128xf32, #tpu.memory_space<hbm>> -> memref<640x128xf32, #tpu.memory_space<hbm>>
      %dma_wait3A_59 = arith.constant 0 : i32
      %dma_wait3A_60 = tpu.memref_slice %arg10[%multiple_of3A, %dma_wait3A_59] : memref<10240x128xf32, #tpu.memory_space<vmem_shared>> -> memref<640x128xf32, #tpu.memory_space<vmem_shared>>
      tpu.wait_dma2 semaphore(%run_scoped3A_51 : memref<!tpu.dma_semaphore, #tpu.memory_space<semaphore_mem>>) src(%dma_wait3A_60 : memref<640x128xf32, #tpu.memory_space<vmem_shared>>) dst(%dma_wait3A_58 : memref<640x128xf32, #tpu.memory_space<hbm>>)
      tpu.yield
    }) : () -> ()
    return
  }
}

#map = affine_map<(d0, d1) -> (0, 0, 0)>
#map1 = affine_map<(d0, d1) -> (0, 0)>
module attributes {stable_mosaic.version = 14 : i64} {
  func.func @_sc_deg_body(%arg0: i32, %arg1: i32, %arg2: memref<32x79x128xi32, #tpu.memory_space<hbm>>, %arg3: memref<10240x128xf32, #tpu.memory_space<hbm>>, %arg4: memref<128x128xf32, #tpu.memory_space<hbm>>, %arg5: memref<2x10240x128xf32, #tpu.memory_space<hbm>>, %arg6: memref<79x128xi32, #tpu.memory_space<vmem>>, %arg7: memref<128x128xf32, #tpu.memory_space<vmem>>, %arg8: memref<10240x128xf32, #tpu.memory_space<vmem_shared>>) attributes {dimension_semantics = [#tpu.dimension_semantics<core_parallel>, #tpu.dimension_semantics<subcore_parallel>], iteration_bounds = array<i64: 2, 16>, scalar_prefetch = 0 : i64, scratch_operands = 3 : i64, tpu.core_type = #tpu.core_type<sc_vector_subcore>, window_params = [{transform_indices = #map}, {transform_indices = #map1}, {transform_indices = #map1}, {transform_indices = #map}]} {
    %mul3A = arith.constant 2 : i32
    %mul3A_0 = arith.muli %arg1, %mul3A : i32
    %add3A = arith.addi %mul3A_0, %arg0 : i32
    %mul3A_1 = arith.constant 640 : i32
    %mul3A_2 = arith.muli %arg1, %mul3A_1 : i32
    %multiple_of3A = tpu.assume_multiple %mul3A_2, 8 : i32
    "tpu.region"() ({
      %run_scoped3A = tpu.sem_alloc : memref<!tpu.dma_semaphore, #tpu.memory_space<semaphore_mem>>
      %dma_start3A = arith.constant 0 : i32
      %dma_start3A_9 = arith.constant 0 : i32
      %dma_start3A_10 = tpu.memref_slice %arg2[%add3A, %dma_start3A, %dma_start3A_9] : memref<32x79x128xi32, #tpu.memory_space<hbm>> -> memref<1x79x128xi32, #tpu.memory_space<hbm>>
      %dma_start3A_11 = tpu.memref_squeeze %dma_start3A_10 : memref<1x79x128xi32, #tpu.memory_space<hbm>> -> memref<79x128xi32, #tpu.memory_space<hbm>>
      %dma_start3A_12 = arith.constant 0 : i32
      %dma_start3A_13 = arith.constant 0 : i32
      %dma_start3A_14 = tpu.memref_slice %arg2[%add3A, %dma_start3A_12, %dma_start3A_13] : memref<32x79x128xi32, #tpu.memory_space<hbm>> -> memref<1x79x128xi32, #tpu.memory_space<hbm>>
      %dma_start3A_15 = tpu.memref_squeeze %dma_start3A_14 : memref<1x79x128xi32, #tpu.memory_space<hbm>> -> memref<79x128xi32, #tpu.memory_space<hbm>>
      tpu.enqueue_dma source(%dma_start3A_15 : memref<79x128xi32, #tpu.memory_space<hbm>>) target(%arg6 : memref<79x128xi32, #tpu.memory_space<vmem>>) target_semaphore(%run_scoped3A : memref<!tpu.dma_semaphore, #tpu.memory_space<semaphore_mem>>)
      %dma_wait3A = arith.constant 0 : i32
      %dma_wait3A_16 = arith.constant 0 : i32
      %dma_wait3A_17 = tpu.memref_slice %arg2[%add3A, %dma_wait3A, %dma_wait3A_16] : memref<32x79x128xi32, #tpu.memory_space<hbm>> -> memref<1x79x128xi32, #tpu.memory_space<hbm>>
      %dma_wait3A_18 = tpu.memref_squeeze %dma_wait3A_17 : memref<1x79x128xi32, #tpu.memory_space<hbm>> -> memref<79x128xi32, #tpu.memory_space<hbm>>
      %dma_wait3A_19 = arith.constant 0 : i32
      %dma_wait3A_20 = arith.constant 0 : i32
      %dma_wait3A_21 = tpu.memref_slice %arg2[%add3A, %dma_wait3A_19, %dma_wait3A_20] : memref<32x79x128xi32, #tpu.memory_space<hbm>> -> memref<1x79x128xi32, #tpu.memory_space<hbm>>
      %dma_wait3A_22 = tpu.memref_squeeze %dma_wait3A_21 : memref<1x79x128xi32, #tpu.memory_space<hbm>> -> memref<79x128xi32, #tpu.memory_space<hbm>>
      tpu.wait_dma2 semaphore(%run_scoped3A : memref<!tpu.dma_semaphore, #tpu.memory_space<semaphore_mem>>) src(%dma_wait3A_22 : memref<79x128xi32, #tpu.memory_space<hbm>>) dst(%arg6 : memref<79x128xi32, #tpu.memory_space<vmem>>)
      tpu.yield
    }) : () -> ()
    "tpu.region"() ({
      %run_scoped3A = tpu.sem_alloc : memref<!tpu.dma_semaphore, #tpu.memory_space<semaphore_mem>>
      tpu.enqueue_dma source(%arg4 : memref<128x128xf32, #tpu.memory_space<hbm>>) target(%arg7 : memref<128x128xf32, #tpu.memory_space<vmem>>) target_semaphore(%run_scoped3A : memref<!tpu.dma_semaphore, #tpu.memory_space<semaphore_mem>>)
      tpu.wait_dma2 semaphore(%run_scoped3A : memref<!tpu.dma_semaphore, #tpu.memory_space<semaphore_mem>>) src(%arg4 : memref<128x128xf32, #tpu.memory_space<hbm>>) dst(%arg7 : memref<128x128xf32, #tpu.memory_space<vmem>>)
      tpu.yield
    }) : () -> ()
    "tpu.region"() ({
      %run_scoped3A = tpu.sem_alloc : memref<!tpu.dma_semaphore, #tpu.memory_space<semaphore_mem>>
      %dma_start3A = arith.constant 0 : i32
      %dma_start3A_9 = tpu.memref_slice %arg8[%multiple_of3A, %dma_start3A] : memref<10240x128xf32, #tpu.memory_space<vmem_shared>> -> memref<640x128xf32, #tpu.memory_space<vmem_shared>>
      %dma_start3A_10 = arith.constant 0 : i32
      %dma_start3A_11 = tpu.memref_slice %arg3[%multiple_of3A, %dma_start3A_10] : memref<10240x128xf32, #tpu.memory_space<hbm>> -> memref<640x128xf32, #tpu.memory_space<hbm>>
      tpu.enqueue_dma source(%dma_start3A_11 : memref<640x128xf32, #tpu.memory_space<hbm>>) target(%dma_start3A_9 : memref<640x128xf32, #tpu.memory_space<vmem_shared>>) target_semaphore(%run_scoped3A : memref<!tpu.dma_semaphore, #tpu.memory_space<semaphore_mem>>)
      %dma_wait3A = arith.constant 0 : i32
      %dma_wait3A_12 = tpu.memref_slice %arg8[%multiple_of3A, %dma_wait3A] : memref<10240x128xf32, #tpu.memory_space<vmem_shared>> -> memref<640x128xf32, #tpu.memory_space<vmem_shared>>
      %dma_wait3A_13 = arith.constant 0 : i32
      %dma_wait3A_14 = tpu.memref_slice %arg3[%multiple_of3A, %dma_wait3A_13] : memref<10240x128xf32, #tpu.memory_space<hbm>> -> memref<640x128xf32, #tpu.memory_space<hbm>>
      tpu.wait_dma2 semaphore(%run_scoped3A : memref<!tpu.dma_semaphore, #tpu.memory_space<semaphore_mem>>) src(%dma_wait3A_14 : memref<640x128xf32, #tpu.memory_space<hbm>>) dst(%dma_wait3A_12 : memref<640x128xf32, #tpu.memory_space<vmem_shared>>)
      tpu.yield
    }) : () -> ()
    %barrier3A = arith.constant 0 : index
    tpu.barrier barrier_id(%barrier3A)
    %scan3A = arith.constant 0 : i32
    %scan3A_3 = arith.constant 0 : i32
    %scan3A_4 = arith.constant 79 : i32
    %scan3A_5 = arith.addi %scan3A_3, %scan3A_4 : i32
    %scan3A_6 = arith.constant 1 : i32
    scf.for %scan3A_9 = %scan3A_3 to %scan3A_5 step %scan3A_6  : i32 {
      "tpu.region"() ({
        %run_scoped3A = tpu.sem_alloc : memref<!tpu.dma_semaphore, #tpu.memory_space<semaphore_mem>>
        %dma_start3A = arith.constant 0 : i32
        %dma_start3A_10 = tpu.memref_slice %arg6[%scan3A_9, %dma_start3A] : memref<79x128xi32, #tpu.memory_space<vmem>> -> memref<1x128xi32, #tpu.memory_space<vmem>>
        %dma_start3A_11 = tpu.memref_squeeze %dma_start3A_10 : memref<1x128xi32, #tpu.memory_space<vmem>> -> memref<128xi32, #tpu.memory_space<vmem>>
        %dma_start3A_12 = arith.constant 0 : i32
        %dma_start3A_13 = arith.constant 0 : i32
        %dma_start3A_14 = tpu.memref_slice %arg8[%dma_start3A_12, %dma_start3A_13] : memref<10240x128xf32, #tpu.memory_space<vmem_shared>> -> memref<10240x128xf32, #tpu.memory_space<vmem_shared>>
        tpu.enqueue_indirect_dma source(%arg7 : memref<128x128xf32, #tpu.memory_space<vmem>>) target(%dma_start3A_14 : memref<10240x128xf32, #tpu.memory_space<vmem_shared>>) offsets(%dma_start3A_11 : memref<128xi32, #tpu.memory_space<vmem>>) semaphore(%run_scoped3A : memref<!tpu.dma_semaphore, #tpu.memory_space<semaphore_mem>>) {add = true}
        %dma_wait3A = arith.constant 0 : i32
        %dma_wait3A_15 = tpu.memref_slice %arg6[%scan3A_9, %dma_wait3A] : memref<79x128xi32, #tpu.memory_space<vmem>> -> memref<1x128xi32, #tpu.memory_space<vmem>>
        %dma_wait3A_16 = tpu.memref_squeeze %dma_wait3A_15 : memref<1x128xi32, #tpu.memory_space<vmem>> -> memref<128xi32, #tpu.memory_space<vmem>>
        %dma_wait3A_17 = arith.constant 0 : i32
        %dma_wait3A_18 = arith.constant 0 : i32
        %dma_wait3A_19 = tpu.memref_slice %arg8[%dma_wait3A_17, %dma_wait3A_18] : memref<10240x128xf32, #tpu.memory_space<vmem_shared>> -> memref<10240x128xf32, #tpu.memory_space<vmem_shared>>
        tpu.wait_indirect_dma semaphore(%run_scoped3A : memref<!tpu.dma_semaphore, #tpu.memory_space<semaphore_mem>>) src(%arg7 : memref<128x128xf32, #tpu.memory_space<vmem>>) dst(%dma_wait3A_19 : memref<10240x128xf32, #tpu.memory_space<vmem_shared>>)
        tpu.yield
      }) : () -> ()
    }
    %scan3A_7 = arith.constant 79 : i32
    %barrier3A_8 = arith.constant 0 : index
    tpu.barrier barrier_id(%barrier3A_8)
    "tpu.region"() ({
      %run_scoped3A = tpu.sem_alloc : memref<!tpu.dma_semaphore, #tpu.memory_space<semaphore_mem>>
      %dma_start3A = arith.constant 0 : i32
      %dma_start3A_9 = tpu.memref_slice %arg5[%arg0, %multiple_of3A, %dma_start3A] : memref<2x10240x128xf32, #tpu.memory_space<hbm>> -> memref<1x640x128xf32, #tpu.memory_space<hbm>>
      %dma_start3A_10 = tpu.memref_squeeze %dma_start3A_9 : memref<1x640x128xf32, #tpu.memory_space<hbm>> -> memref<640x128xf32, #tpu.memory_space<hbm>>
      %dma_start3A_11 = arith.constant 0 : i32
      %dma_start3A_12 = tpu.memref_slice %arg8[%multiple_of3A, %dma_start3A_11] : memref<10240x128xf32, #tpu.memory_space<vmem_shared>> -> memref<640x128xf32, #tpu.memory_space<vmem_shared>>
      tpu.enqueue_dma source(%dma_start3A_12 : memref<640x128xf32, #tpu.memory_space<vmem_shared>>) target(%dma_start3A_10 : memref<640x128xf32, #tpu.memory_space<hbm>>) target_semaphore(%run_scoped3A : memref<!tpu.dma_semaphore, #tpu.memory_space<semaphore_mem>>)
      %dma_wait3A = arith.constant 0 : i32
      %dma_wait3A_13 = tpu.memref_slice %arg5[%arg0, %multiple_of3A, %dma_wait3A] : memref<2x10240x128xf32, #tpu.memory_space<hbm>> -> memref<1x640x128xf32, #tpu.memory_space<hbm>>
      %dma_wait3A_14 = tpu.memref_squeeze %dma_wait3A_13 : memref<1x640x128xf32, #tpu.memory_space<hbm>> -> memref<640x128xf32, #tpu.memory_space<hbm>>
      %dma_wait3A_15 = arith.constant 0 : i32
      %dma_wait3A_16 = tpu.memref_slice %arg8[%multiple_of3A, %dma_wait3A_15] : memref<10240x128xf32, #tpu.memory_space<vmem_shared>> -> memref<640x128xf32, #tpu.memory_space<vmem_shared>>
      tpu.wait_dma2 semaphore(%run_scoped3A : memref<!tpu.dma_semaphore, #tpu.memory_space<semaphore_mem>>) src(%dma_wait3A_16 : memref<640x128xf32, #tpu.memory_space<vmem_shared>>) dst(%dma_wait3A_14 : memref<640x128xf32, #tpu.memory_space<hbm>>)
      tpu.yield
    }) : () -> ()
    return
  }
}

module attributes {stable_mosaic.version = 14 : i64} {
  func.func @_tc_update1(%arg0: memref<10240x128xf32, #tpu.memory_space<vmem>>, %arg1: memref<10240x128xf32, #tpu.memory_space<vmem>>, %arg2: memref<2x10240x128xf32, #tpu.memory_space<vmem>>, %arg3: memref<2x10240x128xf32, #tpu.memory_space<vmem>>, %arg4: memref<1x1xf32, #tpu.memory_space<smem>>, %arg5: memref<10240x128xf32, #tpu.memory_space<vmem>>, %arg6: memref<1x1xf32, #tpu.memory_space<smem>>) attributes {dimension_semantics = [], scalar_prefetch = 0 : i64, scratch_operands = 0 : i64, tpu.core_type = #tpu.core_type<tc>} {
    %get3A = arith.constant 0 : index
    %get3A_0 = arith.constant 0 : index
    %get3A_1 = vector.load %arg0[%get3A, %get3A_0] : memref<10240x128xf32, #tpu.memory_space<vmem>>, vector<10240x128xf32>
    %get3A_2 = arith.constant 0 : index
    %get3A_3 = arith.constant 0 : index
    %get3A_4 = memref.load %arg4[%get3A_2, %get3A_3] : memref<1x1xf32, #tpu.memory_space<smem>>
    %get3A_5 = arith.constant 0 : index
    %get3A_6 = arith.constant 0 : index
    %get3A_7 = arith.constant 0 : index
    %get3A_8 = vector.load %arg3[%get3A_5, %get3A_6, %get3A_7] : memref<2x10240x128xf32, #tpu.memory_space<vmem>>, vector<1x10240x1xf32>
    %get3A_9 = vector.shape_cast %get3A_8 : vector<1x10240x1xf32> to vector<10240x1xf32>
    %get3A_10 = arith.constant 1 : index
    %get3A_11 = arith.constant 0 : index
    %get3A_12 = arith.constant 0 : index
    %get3A_13 = vector.load %arg3[%get3A_10, %get3A_11, %get3A_12] : memref<2x10240x128xf32, #tpu.memory_space<vmem>>, vector<1x10240x1xf32>
    %get3A_14 = vector.shape_cast %get3A_13 : vector<1x10240x1xf32> to vector<10240x1xf32>
    %add3A = arith.addf %get3A_9, %get3A_14 : vector<10240x1xf32>
    %max3A = arith.constant 1.000000e+00 : f32
    %max3A_15 = vector.broadcast %max3A : f32 to vector<10240x1xf32>
    %max3A_16 = arith.maximumf %add3A, %max3A_15 : vector<10240x1xf32>
    %div3A = arith.constant 1.000000e+00 : f32
    %div3A_17 = vector.broadcast %div3A : f32 to vector<10240x1xf32>
    %div3A_18 = arith.divf %div3A_17, %max3A_16 : vector<10240x1xf32>
    %get3A_19 = arith.constant 0 : index
    %get3A_20 = arith.constant 0 : index
    %get3A_21 = arith.constant 0 : index
    %get3A_22 = vector.load %arg2[%get3A_19, %get3A_20, %get3A_21] : memref<2x10240x128xf32, #tpu.memory_space<vmem>>, vector<1x10240x128xf32>
    %get3A_23 = vector.shape_cast %get3A_22 : vector<1x10240x128xf32> to vector<10240x128xf32>
    %get3A_24 = arith.constant 1 : index
    %get3A_25 = arith.constant 0 : index
    %get3A_26 = arith.constant 0 : index
    %get3A_27 = vector.load %arg2[%get3A_24, %get3A_25, %get3A_26] : memref<2x10240x128xf32, #tpu.memory_space<vmem>>, vector<1x10240x128xf32>
    %get3A_28 = vector.shape_cast %get3A_27 : vector<1x10240x128xf32> to vector<10240x128xf32>
    %add3A_29 = arith.addf %get3A_23, %get3A_28 : vector<10240x128xf32>
    %mul3A = vector.broadcast %div3A_18 : vector<10240x1xf32> to vector<10240x128xf32>
    %mul3A_30 = arith.mulf %add3A_29, %mul3A : vector<10240x128xf32>
    %sub3A = arith.subf %mul3A_30, %get3A_1 : vector<10240x128xf32>
    %get3A_31 = arith.constant 0 : index
    %get3A_32 = arith.constant 0 : index
    %get3A_33 = vector.load %arg1[%get3A_31, %get3A_32] : memref<10240x128xf32, #tpu.memory_space<vmem>>, vector<10240x128xf32>
    %add3A_34 = arith.addf %sub3A, %get3A_33 : vector<10240x128xf32>
    %mul3A_35 = vector.broadcast %get3A_4 : f32 to vector<10240x128xf32>
    %mul3A_36 = arith.mulf %mul3A_35, %add3A_34 : vector<10240x128xf32>
    %add3A_37 = arith.addf %get3A_1, %mul3A_36 : vector<10240x128xf32>
    %swap3A = arith.constant 0 : index
    %swap3A_38 = arith.constant 0 : index
    %swap3A_39 = vector.load %arg5[%swap3A, %swap3A_38] : memref<10240x128xf32, #tpu.memory_space<vmem>>, vector<10240x128xf32>
    tpu.vector_store %arg5[%swap3A, %swap3A_38], %add3A_37 {strides = array<i32>} : memref<10240x128xf32, #tpu.memory_space<vmem>>, vector<10240x128xf32>,
    %mul3A_40 = arith.mulf %get3A_1, %get3A_1 : vector<10240x128xf32>
    %reduce_sum3A = arith.constant dense<0.000000e+00> : vector<10240xf32>
    %reduce_sum3A_41 = vector.multi_reduction <add>, %mul3A_40, %reduce_sum3A [1] : vector<10240x128xf32> to vector<10240xf32>
    %reduce_max3A = vector.shape_cast %reduce_sum3A_41 : vector<10240xf32> to vector<1x10240xf32>
    %reduce_max3A_42 = arith.constant dense<0xFF800000> : vector<1xf32>
    %reduce_max3A_43 = vector.multi_reduction <maximumf>, %reduce_max3A, %reduce_max3A_42 [1] : vector<1x10240xf32> to vector<1xf32>
    %reduce_max3A_44 = vector.shape_cast %reduce_max3A_43 : vector<1xf32> to vector<1x1xf32>
    %reduce_max3A_45 = vector.extract %reduce_max3A_44[0, 0] : f32 from vector<1x1xf32>
    %swap3A_46 = arith.constant 0 : index
    %swap3A_47 = arith.constant 0 : index
    %swap3A_48 = memref.load %arg6[%swap3A_46, %swap3A_47] : memref<1x1xf32, #tpu.memory_space<smem>>
    memref.store %reduce_max3A_45, %arg6[%swap3A_46, %swap3A_47] : memref<1x1xf32, #tpu.memory_space<smem>>
    return
  }
}

module attributes {stable_mosaic.version = 14 : i64} {
  func.func @_tc_update2(%arg0: memref<10240x128xf32, #tpu.memory_space<vmem>>, %arg1: memref<10240x128xf32, #tpu.memory_space<vmem>>, %arg2: memref<2x10240x128xf32, #tpu.memory_space<vmem>>, %arg3: memref<2x10240x128xf32, #tpu.memory_space<vmem>>, %arg4: memref<1x1xf32, #tpu.memory_space<smem>>, %arg5: memref<1x1xf32, #tpu.memory_space<smem>>, %arg6: memref<5000x128xf32, #tpu.memory_space<vmem>>, %arg7: memref<5000x128xf32, #tpu.memory_space<vmem>>) attributes {dimension_semantics = [], scalar_prefetch = 0 : i64, scratch_operands = 0 : i64, tpu.core_type = #tpu.core_type<tc>} {
    %get3A = arith.constant 0 : index
    %get3A_0 = arith.constant 0 : index
    %get3A_1 = vector.load %arg0[%get3A, %get3A_0] : memref<10240x128xf32, #tpu.memory_space<vmem>>, vector<10240x128xf32>
    %get3A_2 = arith.constant 0 : index
    %get3A_3 = arith.constant 0 : index
    %get3A_4 = memref.load %arg4[%get3A_2, %get3A_3] : memref<1x1xf32, #tpu.memory_space<smem>>
    %get3A_5 = arith.constant 0 : index
    %get3A_6 = arith.constant 0 : index
    %get3A_7 = memref.load %arg5[%get3A_5, %get3A_6] : memref<1x1xf32, #tpu.memory_space<smem>>
    %sqrt3A = math.sqrt %get3A_7 : f32
    %div3A = arith.constant 1.000000e+00 : f32
    %div3A_8 = arith.divf %div3A, %sqrt3A : f32
    %get3A_9 = arith.constant 0 : index
    %get3A_10 = arith.constant 0 : index
    %get3A_11 = arith.constant 0 : index
    %get3A_12 = vector.load %arg3[%get3A_9, %get3A_10, %get3A_11] : memref<2x10240x128xf32, #tpu.memory_space<vmem>>, vector<1x10240x1xf32>
    %get3A_13 = vector.shape_cast %get3A_12 : vector<1x10240x1xf32> to vector<10240x1xf32>
    %get3A_14 = arith.constant 1 : index
    %get3A_15 = arith.constant 0 : index
    %get3A_16 = arith.constant 0 : index
    %get3A_17 = vector.load %arg3[%get3A_14, %get3A_15, %get3A_16] : memref<2x10240x128xf32, #tpu.memory_space<vmem>>, vector<1x10240x1xf32>
    %get3A_18 = vector.shape_cast %get3A_17 : vector<1x10240x1xf32> to vector<10240x1xf32>
    %add3A = arith.addf %get3A_13, %get3A_18 : vector<10240x1xf32>
    %max3A = arith.constant 1.000000e+00 : f32
    %max3A_19 = vector.broadcast %max3A : f32 to vector<10240x1xf32>
    %max3A_20 = arith.maximumf %add3A, %max3A_19 : vector<10240x1xf32>
    %div3A_21 = arith.constant 1.000000e+00 : f32
    %div3A_22 = vector.broadcast %div3A_21 : f32 to vector<10240x1xf32>
    %div3A_23 = arith.divf %div3A_22, %max3A_20 : vector<10240x1xf32>
    %get3A_24 = arith.constant 0 : index
    %get3A_25 = arith.constant 0 : index
    %get3A_26 = arith.constant 0 : index
    %get3A_27 = vector.load %arg2[%get3A_24, %get3A_25, %get3A_26] : memref<2x10240x128xf32, #tpu.memory_space<vmem>>, vector<1x10240x128xf32>
    %get3A_28 = vector.shape_cast %get3A_27 : vector<1x10240x128xf32> to vector<10240x128xf32>
    %get3A_29 = arith.constant 1 : index
    %get3A_30 = arith.constant 0 : index
    %get3A_31 = arith.constant 0 : index
    %get3A_32 = vector.load %arg2[%get3A_29, %get3A_30, %get3A_31] : memref<2x10240x128xf32, #tpu.memory_space<vmem>>, vector<1x10240x128xf32>
    %get3A_33 = vector.shape_cast %get3A_32 : vector<1x10240x128xf32> to vector<10240x128xf32>
    %add3A_34 = arith.addf %get3A_28, %get3A_33 : vector<10240x128xf32>
    %mul3A = vector.broadcast %div3A_23 : vector<10240x1xf32> to vector<10240x128xf32>
    %mul3A_35 = arith.mulf %add3A_34, %mul3A : vector<10240x128xf32>
    %sub3A = arith.subf %mul3A_35, %get3A_1 : vector<10240x128xf32>
    %get3A_36 = arith.constant 0 : index
    %get3A_37 = arith.constant 0 : index
    %get3A_38 = vector.load %arg1[%get3A_36, %get3A_37] : memref<10240x128xf32, #tpu.memory_space<vmem>>, vector<10240x128xf32>
    %add3A_39 = arith.addf %sub3A, %get3A_38 : vector<10240x128xf32>
    %mul3A_40 = vector.broadcast %get3A_4 : f32 to vector<10240x128xf32>
    %mul3A_41 = arith.mulf %mul3A_40, %add3A_39 : vector<10240x128xf32>
    %add3A_42 = arith.addf %get3A_1, %mul3A_41 : vector<10240x128xf32>
    %mul3A_43 = vector.broadcast %div3A_8 : f32 to vector<10240x128xf32>
    %mul3A_44 = arith.mulf %add3A_42, %mul3A_43 : vector<10240x128xf32>
    %slice3A = vector.extract_strided_slice %mul3A_44 {offsets = [0, 0], sizes = [5000, 128], strides = [1, 1]} : vector<10240x128xf32> to vector<5000x128xf32>
    %swap3A = arith.constant 0 : index
    %swap3A_45 = arith.constant 0 : index
    %swap3A_46 = vector.load %arg6[%swap3A, %swap3A_45] : memref<5000x128xf32, #tpu.memory_space<vmem>>, vector<5000x128xf32>
    tpu.vector_store %arg6[%swap3A, %swap3A_45], %slice3A {strides = array<i32>} : memref<5000x128xf32, #tpu.memory_space<vmem>>, vector<5000x128xf32>,
    %slice3A_47 = vector.extract_strided_slice %mul3A_44 {offsets = [5000, 0], sizes = [5000, 128], strides = [1, 1]} : vector<10240x128xf32> to vector<5000x128xf32>
    %swap3A_48 = arith.constant 0 : index
    %swap3A_49 = arith.constant 0 : index
    %swap3A_50 = vector.load %arg7[%swap3A_48, %swap3A_49] : memref<5000x128xf32, #tpu.memory_space<vmem>>, vector<5000x128xf32>
    tpu.vector_store %arg7[%swap3A_48, %swap3A_49], %slice3A_47 {strides = array<i32>} : memref<5000x128xf32, #tpu.memory_space<vmem>>, vector<5000x128xf32>,
    return
  }
}

</mosaic_0001>

<sc_bundles>
// kernel: kernel.10.cloned.1.call-start
scs
__scs_entry_jumppad:
0x0: {  	(pc) =	sbr.rel $0x88, $3  }
0x1: {  	(tag) =	ssettag $0x0;
	lr =	simm.s32 $0x1  }
0x2: {  	[smem:$0x3F9B] =	sst lr;
	_ =	strace $0xD0000000  }
0x3: {  	_ = 	snop  }
0x4: {  	_ = 	snop  }
0x5: {  	_ = 	snop  }
0x6: {  	_ = 	snop  }
0x7: {  	_ = 	snop  }
__scs_overlays_trampoline_lowered:
0x8: {  	[smem:$0x3FAA] =	sst s0  }
0x9: {  	[smem:$0x3FAB] =	sst s1  }
0xa: {  	[smem:$0x3FAC] =	sst s2  }
0xb: {  	[smem:$0x3FAD] =	sst s3  }
0xc: {  	[smem:$0x3FAE] =	sst s4  }
0xd: {  	[smem:$0x3FAF] =	sst s5  }
0xe: {  	[smem:$0x3FB0] =	sst s6  }
0xf: {  	[smem:$0x3FB1] =	sst s7  }
0x10: {  	[smem:$0x3FB2] =	sst s8  }
0x11: {  	[smem:$0x3FB3] =	sst s9;
	s0 =	simm.s32 @!p0 $0x0  }
0x12: {  	s1 =	sld [smem:$0x3F99];
	s0 =	simm.s32 @p0 $0x1  }
0x13: {  	[smem:$0x3FB4] =	sst s0;
	s0 =	simm.s32 @!p1 $0x0  }
0x14: {  	s2 =	sld [smem:$0x3F98];
	s0 =	simm.s32 @p1 $0x1  }
0x15: {  	[smem:$0x3FB5] =	sst s0;
	s0 =	simm.s32 @!p2 $0x0  }
0x16: {  	s3 =	sld [smem:$0x3FDB];
	s0 =	simm.s32 @p2 $0x1  }
0x17: {  	s4 =	simm.s32 $0x1BF5;
	[smem:$0x3FB7] =	sst s0  }
0x18: {  	s0 =	sld [smem:$0x3F9A];
	_ =	swait.ge [sflag:s4], $0x0  }
0x19: {  	s7 =	sld [smem:$0x3F9B]  }
0x1a: {  	s8 =	sadd.s32 $0xFFFFE003, lr  }
0x1b: {  	s9 =	sadd.s32 $0xFFFFFEF7, lr;
	s5 =	simm.s32 $0xFFFFFFFF;
	p2 =	slt.u32 s8, $0xFFFFF086  }
0x1c: {  	p1 =	slt.u32 s9, $0xF7A;
	s5 =	simm.s32 @!p2 $0x0  }
0x1d: {  	s5 =	simm.s32 @p1 $0x1;
	p0 =	seq.s32 s7, s2  }
0x1e: {  	s7 =	smul.u32 @!p0 $0xF7A, s2;
	p2 =	seq.s32 @!p0 s5, $0x0  }
0x1f: {  	s9 =	smul.u32 $0xF7A, s1;
	s8 =	simm.s32 @!p0 $0x1BF5;
	p2 =	por !p2, p0  }
0x20: {  	[sflag:s8] =	ssyncset.s32 @!p0 $0xFFFFF086;
	s6 =	sadd.s32 @!p0 s3, s7;
	s7 =	simm.s32 @!p0 $0x108  }
0x21: {  	s3 =	sadd.s32 s3, s9;
	s6 =	sadd.s32 @!p0 $0x88, s6;
	s7 =	simm.s32 @p2 $0x1082  }
0x22: {  	[simem:s7], [sflag:s8] =	dma.local @!p0 [hbm:s6], $0xF7A  }
0x23: {  	s9 =	sor.u32 $0xD0000000, s2;
	s6 =	simm.s32 $0x108;
	_ =	swait.ge @!p0 [sflag:s8], $0x0  }
0x24: {  	s3 =	sadd.s32 $0x88, s3;
	s6 =	simm.s32 @!p1 $0x1082;
	[sflag:s4] =	ssyncset.s32 $0xFFFFF086  }
0x25: {  	[simem:s6], [sflag:s4] =	dma.local [hbm:s3], $0xF7A  }
0x26: {  	[smem:$0x3F9B] =	sst s1;
	(tag) =	ssettag s2;
	_ =	strace s9  }
0x27: {  	s1 =	sld [smem:$0x3FAB]  }
0x28: {  	s2 =	sld [smem:$0x3FAC]  }
0x29: {  	s4 =	sld [smem:$0x3FAE]  }
0x2a: {  	p0 =	seq.s32 s5, $0x0;
	s5 =	sld [smem:$0x3FAF]  }
0x2b: {  	s6 =	sld [smem:$0x3FB0]  }
0x2c: {  	s7 =	sld [smem:$0x3FB1]  }
0x2d: {  	s3 =	simm.s32 $0x108;
	s8 =	sld [smem:$0x3FB2]  }
0x2e: {  	s3 =	simm.s32 @!p0 $0x1082;
	s9 =	sld [smem:$0x3FB3]  }
0x2f: {  	lr =	sadd.s32 s0, s3;
	s0 =	sld [smem:$0x3FAA]  }
0x30: {  	s3 =	sld [smem:$0x3FAD]  }
0x31: {  	[smem:$0x3FB6] =	sst s10  }
0x32: {  	s10 =	sld [smem:$0x3FB4];
	_ =	sdelay $0x3  }
0x33: {  	p0 =	seq.s32 s10, $0x1;
	s10 =	sld [smem:$0x3FB6];
	_ =	sdelay $0x3  }
0x34: {  	[smem:$0x3FB6] =	sst s10  }
0x35: {  	s10 =	sld [smem:$0x3FB5];
	_ =	sdelay $0x3  }
0x36: {  	p1 =	seq.s32 s10, $0x1;
	s10 =	sld [smem:$0x3FB6];
	_ =	sdelay $0x3  }
0x37: {  	[smem:$0x3FB6] =	sst s10  }
0x38: {  	s10 =	sld [smem:$0x3FB7]  }
0x39: {  	_ = 	snop;
	(pc) =	sbr.ind lr, $3  }
0x3a: {  	_ = 	snop  }
0x3b: {  	_ = 	snop  }
0x3c: {  	p2 =	seq.s32 s10, $0x1;
	s10 =	sld [smem:$0x3FB6]  }
0x3d: {  	_ =	shalt  }
0x3e: {  	_ =	shalt  }
0x3f: {  	_ =	shalt  }
0x40: {  	_ =	shalt  }
0x41: {  	_ =	shalt  }
0x42: {  	_ =	shalt  }
0x43: {  	_ =	shalt  }
0x44: {  	_ =	shalt  }
0x45: {  	_ =	shalt  }
0x46: {  	_ =	shalt  }
0x47: {  	_ =	shalt  }
0x48: {  	_ =	shalt  }
0x49: {  	_ =	shalt  }
0x4a: {  	_ =	shalt  }
0x4b: {  	_ =	shalt  }
0x4c: {  	_ =	shalt  }
0x4d: {  	_ =	shalt  }
0x4e: {  	_ =	shalt  }
0x4f: {  	_ =	shalt  }
0x50: {  	_ =	shalt  }
0x51: {  	_ =	shalt  }
0x52: {  	_ =	shalt  }
0x53: {  	_ =	shalt  }
0x54: {  	_ =	shalt  }
0x55: {  	_ =	shalt  }
0x56: {  	_ =	shalt  }
0x57: {  	_ =	shalt  }
0x58: {  	_ =	shalt  }
0x59: {  	_ =	shalt  }
0x5a: {  	_ =	shalt  }
0x5b: {  	_ =	shalt  }
0x5c: {  	_ =	shalt  }
0x5d: {  	_ =	shalt  }
0x5e: {  	_ =	shalt  }
0x5f: {  	_ =	shalt  }
0x60: {  	_ =	shalt  }
0x61: {  	_ =	shalt  }
0x62: {  	_ =	shalt  }
0x63: {  	_ =	shalt  }
0x64: {  	_ =	shalt  }
0x65: {  	_ =	shalt  }
0x66: {  	_ =	shalt  }
0x67: {  	_ =	shalt  }
0x68: {  	_ =	shalt  }
0x69: {  	_ =	shalt  }
0x6a: {  	_ =	shalt  }
0x6b: {  	_ =	shalt  }
0x6c: {  	_ =	shalt  }
0x6d: {  	_ =	shalt  }
0x6e: {  	_ =	shalt  }
0x6f: {  	_ =	shalt  }
0x70: {  	_ =	shalt  }
0x71: {  	_ =	shalt  }
0x72: {  	_ =	shalt  }
0x73: {  	_ =	shalt  }
0x74: {  	_ =	shalt  }
0x75: {  	_ =	shalt  }
0x76: {  	_ =	shalt  }
0x77: {  	_ =	shalt  }
0x78: {  	_ =	shalt  }
0x79: {  	_ =	shalt  }
0x7a: {  	_ =	shalt  }
0x7b: {  	_ =	shalt  }
0x7c: {  	_ =	shalt  }
0x7d: {  	_ =	shalt  }
0x7e: {  	_ =	shalt  }
0x7f: {  	_ =	shalt  }
0x80: {  	_ =	shalt  }
0x81: {  	_ =	shalt  }
0x82: {  	_ =	shalt  }
0x83: {  	_ =	shalt  }
0x84: {  	_ =	shalt  }
0x85: {  	_ =	shalt  }
0x86: {  	_ =	shalt  }
0x87: {  	_ =	shalt  }
.Lfunc_end0:
.L_simem_size_0:
called_computation.1_lowered:
.L_overlay_start_0:
0x88: {  	s2 =	sld [smem:$0x3FD9]  }
0x89: {  	s3 =	sld [smem:$0x3FFE];
	_ =	sdelay $0x1  }
0x8a: {  	s1 =	srdreg.scid  }
0x8b: {  	s0 =	sand.u32 $0x1, s1  }
0x8c: {  	s14 =	sshll.u32 s0, $0xA;
	s2 =	sadd.s32 s3, s2  }
0x8d: {  	s2 =	sadd.s32 s2, s14  }
0x8e: {  	[smem:$0x3FC2] =	sst s2  }
0x8f: {  	_ = 	snop  }
0x90: {  	s2 =	sld [smem:$0x3FD0];
	_ =	sdelay $0x2  }
0x91: {  	s15 =	simm.s32 $0xB;
	s4 =	simm.s32 $0x10  }
0x92: {  	[smem:s4], [sflag:s15] =	dma.local [hbm:s2], $0x1  }
0x93: {  	_ =	swait.eq [sflag:s15], $0x1  }
0x94: {  	[sflag:s15] =	ssyncset.done $0x0  }
0x95: {  	s16 =	sld [smem:$0x10];
	[sflag:s15] =	ssyncadd.s32 $0xFFFFFFFF  }
0x96: {  	s17 =	sld [smem:$0x11];
	(tm) =	ssettm $0x1  }
0x97: {  	s18 =	sld [smem:$0x3FFB];
	_ =	sdelay $0x3  }
0x98: {  	_ =	strace s18  }
0x99: {  	s4 =	sld [smem:$0x3FFC];
	_ =	sdelay $0x3  }
0x9a: {  	_ =	strace s4  }
0x9b: {  	s4 =	sld [smem:$0x3FFD];
	_ =	sdelay $0x3  }
0x9c: {  	_ =	strace s4  }
0x9d: {  	_ =	strace $0x8FFFFFFF  }
0x9e: {  	s19 =	sld [smem:$0x3FDB];
	_ =	sdelay $0x1  }
0x9f: {  	s5 =	simm.s32 $_scs_section_size  }
0xa0: {  	s6 =	simm.s32 $_size__tile_overlayer_lowered;
	s7 =	simm.s32 $_tile_overlayer_lowered  }
0xa1: {  	s22 =	simm.s32 $0x1BFF;
	s21 =	sshll.u32 s7, $0x1;
	s4 =	sadd.s32 s5, s19  }
0xa2: {  	s8 =	simm.s32 $0x0;
	s20 =	sshll.u32 s6, $0x1;
	s6 =	sadd.s32 s21, s4  }
0xa3: {  	[timem:s8], [sflag:s22] =	dma.local [hbm:s6], s20  }
0xa4: {  	_ =	swait.ge [sflag:s22], s20  }
0xa5: {  	s5 =	ssub.s32 $0x0, s20;
	[sflag:s22] =	ssyncset.done $0x0  }
0xa6: {  	[sflag:s22] =	ssyncadd.s32 s5;
	_ =	sdelay $0x1  }
0xa7: {  	s23 =	simm.s32 $0x1B8B  }
0xa8: {  	_ =	swait.ge [sflag:s23], $0x1  }
0xa9: {  	[sflag:s23] =	ssyncset.done $0x0  }
0xaa: {  	s25 =	simm.s32 $0x1B8E;
	s24 =	sld [smem:$0x3FFE];
	[sflag:s23] =	ssyncadd.s32 $0xFFFFFFFF  }
0xab: {  	s26 =	simm.s32 $execute0_lowered;
	[smem:$0x3FD2] =	sst s25  }
0xac: {  	s6 =	sshll.u32 s26, $0x1;
	_ =	strace $0x80000046;
	[dreg:$0x1] =	wrdreg $0xFFFFFFFF  }
0xad: {  	s28 =	simm.s32 $_size_execute0_lowered;
	s4 =	sadd.s32 s4, s6;
	[dreg:$0x0] =	wrdreg $0x0  }
0xae: {  	s6 =	sshll.u32 s28, $0x1;
	[dreg:$0x2] =	wrdreg s4  }
0xaf: {  	[dreg:$0x3] =	wrdreg s6  }
0xb0: {  	[dreg:$0x4] =	wrdreg $0xC0  }
0xb1: {  	_ =	task [dreg:s8], $0x5FFFF  }
0xb2: {  	[dreg:$0x1] =	wrdreg $0xFFFFFFFF  }
0xb3: {  	[dreg:$0x0] =	wrdreg $0x60  }
0xb4: {  	[dreg:$0x2] =	wrdreg s17  }
0xb5: {  	[dreg:$0x3] =	wrdreg s16  }
0xb6: {  	[dreg:$0x4] =	wrdreg s24  }
0xb7: {  	[dreg:$0x5] =	wrdreg $0x84000  }
0xb8: {  	[dreg:$0x6] =	wrdreg $0xA  }
0xb9: {  	_ =	task.clear_ibuf [dreg:s8], $0x7FFFF;
	_ =	strace $0x90000046  }
0xba: {  	s29 =	simm.s32 $0xA;
	_ =	strace $0x80000048  }
0xbb: {  	_ =	swait.ge [sflag:s29], $0x1  }
0xbc: {  	[sflag:s29] =	ssyncadd.s32 $0xFFFFFFFF  }
0xbd: {  	_ =	strace $0x90000048  }
0xbe: {  	_ =	sfence  }
0xbf: {  	s30 =	sld [smem:$0x0];
	_ =	sdelay $0x2  }
0xc0: {  	s31 =	sshll.u32 s1, $0xD;
	s1 =	sshrl.u32 s1, $0x2  }
0xc1: {  	s3 =	sand.u32 $0x4000, s31;
	s1 =	sadd.s32 s1, s30  }
0xc2: {  	s0 =	sor.u32 s3, s0;
	s1 =	sshll.u32 s1, $0x11  }
0xc3: {  	s0 =	sor.u32 s1, s0  }
0xc4: {  	s0 =	sadd.s32 $0x8F2B, s0  }
0xc5: {  	[sflag:s0] =	ssyncadd.remote.s32 $0x1  }
0xc6: {  	_ =	sfence.sel $0xFFFF  }
0xc7: {  	[dreg:$0x0] =	wrdreg $0xFFFFFFFF;
	(pc) =	sbr.abs _section_cstart, $3  }
0xc8: {  	[dreg:$0x1] =	wrdreg $0xFFFFFFFF  }
0xc9: {  	_ =	task.clear_ibuf [dreg:s8], $0x2FFFF;
	_ =	strace $0x9FFFFFFF  }
0xca: {  	(tm) =	ssettm $0x7FFFFFFF  }
0xcb: {  	_ =	shalt  }
tec
execute0_lowered:
.L_overlay_start_1:
0x0: {  	(tag) =	ssettag $0x1  }
0x1: {  	s1 =	rddreg [dreg:$0x0]  }
0x2: {  	s3 =	rddreg [dreg:$0x1]  }
0x3: {  	s7 =	rddreg [dreg:$0x2]  }
0x4: {  	s4 =	rddreg [dreg:$0x3]  }
0x5: {  	s0 =	stileid.u32;
	s6 =	srdreg.scid  }
0x6: {  	s5 =	simm.s32 $0x0;
	s17 =	simm.s32 $0x3;
	s19 =	simm.s32 $0x80  }
0x7: {  	s22 =	simm.s32 $0x1;
	s8 =	smul.u32 $0x14000, s0;
	s9 =	sand.u32 $0x1, s6  }
0x8: {  	[smem:$0x7FF] =	sst s5;
	s6 =	sadd.s32 $0x2400, s7;
	s23 =	smul.u32 $0x50000, s0  }
0x9: {  	s12 =	sshll.u32 s0, $0x1;
	s28 =	sshll.u32 s0, $0x6;
	s10 =	smul.u32 $0x140000, s9  }
0xa: {  	_ =	strace $0x80000047;
	s24 =	ssub.s32 $0x2, s9;
	s25 =	sor.u32 s9, s12  }
0xb: {  	s9 =	sor.u32 $0x1C03, s28;
	s11 =	sshrl.u32 s8, $0x3;
	s26 =	sshrl.u32 s24, $0x1  }
0xc: {  	s11 =	sadd.s32 s11, s7;
	s8 =	sadd.s32 s8, s10;
	s10 =	sshrl.u32 s23, $0x2  }
0xd: {  	s15 =	ssub.s32 s24, s26;
	s23 =	simm.s32 $0x0;
	s8 =	sshrl.u32 s8, $0x3  }
0xe: {  	s29 =	sadd.s32 $0x2A400, s11;
	s14 =	sadd.s32 s8, s7;
	s7 =	smul.u32 $0x2800, s25  }
0xf: {  	s16 =	sadd.s32 s10, s4;
	s15 =	smax.u32 s15, $0x1;
	[dreg:$0x5] =	wrdreg s29  }
0x10: {  	s16 =	sshrl.u32 s16, $0x3;
	s14 =	sadd.s32 $0x52400, s14;
	s30 =	sshrl.u32 s7, $0x3  }
0x11: {  	s31 =	sadd.s32 s1, s30;
	s11 =	sadd.s32 s3, s30;
	s13 =	sor.u32 $0x10, s30  }
0x12: {  	[dreg:$0x6] =	wrdreg s31;
	s12 =	sadd.s32 s1, s13;
	s13 =	sadd.s32 s3, s13  }
.LBB2_1:
0x13: {  	s0 =	rddreg [dreg:$0x5]  }
0x14: {  	[spmem:s16], [sflag:s9] =	dma.local [hbm:s0], $0x2800  }
0x15: {  	_ =	swait.ge [sflag:s17], $0x2800  }
0x16: {  	[sflag:s17] =	ssyncset.done $0x0  }
0x17: {  	[sflag:s17] =	ssyncadd.s32 $0xFFFFD800  }
0x18: {  	[bflag:$0x0] =	sbarrier.arrive $0xFFFF  }
0x19: {  	s8 =	rddreg [dreg:$0x6]  }
0x1a: {  	[tilespmem:s5], [sflag:$0x3] =	stream.linear.gather [hbm4b:s8+s5], $0x80, $0x38;
	[tilespmem:$0x1C400] =	vst v63  }
0x1b: {  	_ =	swait.ge [sflag:s17], $0x80  }
0x1c: {  	[sflag:s17] =	ssyncset.done $0x0  }
0x1d: {  	s10 =	simm.s32 $0x200;
	[sflag:s17] =	ssyncadd.s32 $0xFFFFFF80  }
0x1e: {  	[tilespmem:s10], [sflag:$0x3] =	stream.linear.gather [hbm4b:s11+s5], $0x80, $0x38;
	[tilespmem:$0x1C400] =	vst v63  }
0x1f: {  	s18 =	simm.s32 $0x400;
	s20 =	simm.s32 $0x280;
	_ =	swait.ge [sflag:s17], $0x80  }
0x20: {  	s24 =	simm.s32 $0x1;
	p0 =	por $0x0, $0x0;
	[sflag:s17] =	ssyncset.done $0x0  }
0x21: {  	s25 =	simm.s32 $0x100;
	s28 =	simm.s32 $0x10000;
	[sflag:s17] =	ssyncadd.s32 $0xFFFFFF80  }
0x22: {  	[tilespmem:s18], [sflag:$0x1] =	stream.indirect.gather [hbm4b:s6+s19], $0x80, s5, s19, $0xb8;
	[tilespmem:$0x1C400] =	vst v63  }
0x23: {  	s30 =	simm.s32 $0x2;
	s26 =	smul.u32 @!p0 $0xAB, s24;
	s29 =	simm.s32 @!p0 $0x2  }
0x24: {  	[tilespmem:s19], [sflag:$0x2] =	stream.linear.gather [hbm4b:s12+s5], $0x80, $0x38;
	[tilespmem:$0x1C400] =	vst v63  }
0x25: {  	p1 =	por @!p0 $0x0, $0x0;
	s30 =	smul.u32 $0xAB, s30;
	s26 =	sshrl.u32 @!p0 s26, $0x9  }
0x26: {  	[tilespmem:s20], [sflag:$0x2] =	stream.linear.gather [hbm4b:s13+s5], $0x80, $0x38;
	[tilespmem:$0x1C400] =	vst v63  }
0x27: {  	s28 =	sand.u32 @!p0 $0x10000, s28;
	s26 =	sand.u32 @!p0 $0x7F, s26;
	_ =	swait.ge @!p0 [sflag:s29], $0x80  }
0x28: {  	s28 =	sshrl.u32 @!p0 s28, $0x2;
	s26 =	smul.u32 @!p0 $0x3, s26;
	[sflag:s29] =	ssyncset.done @!p0 $0x0  }
0x29: {  	p1 =	por p1, p0;
	s30 =	sshrl.u32 s30, $0x9;
	[sflag:s29] =	ssyncadd.s32 @!p0 $0xFFFFFF80  }
0x2a: {  	s28 =	sor.u32 @!p0 $0x400, s28;
	s26 =	ssub.s32 @!p0 $0x1, s26;
	_ =	swait.ge @!p0 [sflag:s29], $0x80  }
0x2b: {  	s30 =	sand.u32 $0x7F, s30;
	s26 =	sand.u32 @!p0 $0xFF, s26;
	[sflag:s29] =	ssyncset.done @!p0 $0x0  }
0x2c: {  	s26 =	sshll.u32 @!p0 s26, $0x7;
	[sflag:s29] =	ssyncadd.s32 @!p0 $0xFFFFFF80;
	s29 =	simm.s32 @!p0 $0x80  }
0x2d: {  	[tilespmem:s28], [sflag:$0x1] =	stream.indirect.gather @!p0 [hbm4b:s6+s29], $0x80, s26, s29, $0xb8;
	[tilespmem:$0x1C400] =	vst v63  }
0x2e: {  	s26 =	sand.u32 @!p1 $0x7C00, s25;
	s28 =	smul.u32 $0x3, s30  }
0x2f: {  	s25 =	sand.u32 @!p1 $0x380, s25;
	s26 =	sadd.s32 @!p1 s7, s26  }
0x30: {  	s25 =	sor.u32 @!p1 s25, s26;
	s21 =	ssub.s32 $0x2, s28;
	s28 =	smul.u32 $0xAB, s5  }
0x31: {  	s29 =	simm.s32 @!p1 $0x0;
	s25 =	sshrl.u32 @!p1 s25, $0x3;
	s26 =	sand.u32 $0xFF, s21  }
0x32: {  	s30 =	sadd.s32 @!p1 s1, s25;
	s26 =	sshll.u32 @!p1 s26, $0x7;
	s28 =	sshrl.u32 s28, $0x9  }
0x33: {  	[tilespmem:s26], [sflag:$0x2] =	stream.linear.gather @!p1 [hbm4b:s30+s29], $0x80, $0x38;
	[tilespmem:$0x1C400] =	vst v63  }
0x34: {  	s28 =	sand.u32 $0x7F, s28  }
0x35: {  	s25 =	sadd.s32 @!p1 s3, s25;
	s26 =	sadd.s32 @!p1 $0x200, s26;
	s28 =	smul.u32 $0x3, s28  }
0x36: {  	[tilespmem:s26], [sflag:$0x2] =	stream.linear.gather @!p1 [hbm4b:s25+s29], $0x80, $0x38;
	[tilespmem:$0x1C400] =	vst v63  }
0x37: {  	s25 =	simm.s32 $0x20000;
	s29 =	ssub.s32 $0x0, s28;
	s28 =	simm.s32 $0x0  }
0x38: {  	s26 =	simm.s32 $0x180;
	s31 =	sand.u32 $0xFB, s29;
	s28 =	sand.u32 $0x10000, s28  }
0x39: {  	_ =	swait.ge [sflag:s22], $0x4000;
	s30 =	sshrl.u32 s28, $0x2;
	s28 =	sshll.u32 s31, $0x7  }
.LBB2_2:
0x3a: {  	[sflag:s22] =	ssyncset.done $0x0;
	s31 =	sor.u32 $0x200, s28  }
0x3b: {  	s28 =	smov.u32 s24;
	s24 =	sadd.s32 $0x1, s24;
	s29 =	smov.u32 s25  }
0x3c: {  	s30 =	sor.u32 $0x400, s30;
	p0 =	sne.s32 s24, $0x4F;
	[sflag:s22] =	ssyncadd.s32 $0xFFFFC000  }
0x3d: {  	[spmem:s4] =	stream.indirect.scatter.add.f32 [tilespmem:s30], [sflag:$0x3], $0x80, s31, s19, $0xb8;
	[tilespmem:$0x1C400] =	vst v63  }
0x3e: {  	_ =	swait.ge [sflag:s17], $0x4000  }
0x3f: {  	[sflag:s17] =	ssyncset.done $0x0  }
0x40: {  	p2 =	seq.s32 s28, $0x4E;
	s30 =	smul.u32 $0xAB, s28;
	[sflag:s17] =	ssyncadd.s32 $0xFFFFC000  }
0x41: {  	s31 =	smul.u32 @!p2 $0xAB, s24;
	s0 =	simm.s32 @!p2 $0x2;
	p1 =	sgt.u32 @!p2 s28, $0x4C  }
0x42: {  	s2 =	sadd.s32 $0x2, s28;
	s18 =	sand.u32 @!p2 $0x10000, s25;
	_ =	swait.ge @!p2 [sflag:s0], $0x80  }
0x43: {  	s20 =	smul.u32 $0xAB, s2;
	s31 =	sshrl.u32 @!p2 s31, $0x9;
	[sflag:s0] =	ssyncset.done @!p2 $0x0  }
0x44: {  	s18 =	sshrl.u32 @!p2 s18, $0x2;
	s31 =	sand.u32 @!p2 $0x7F, s31;
	[sflag:s0] =	ssyncadd.s32 @!p2 $0xFFFFFF80  }
0x45: {  	s20 =	sshrl.u32 s20, $0x9;
	s18 =	sor.u32 @!p2 $0x400, s18;
	s31 =	smul.u32 @!p2 $0x3, s31  }
0x46: {  	s21 =	simm.s32 @!p2 $0x80;
	p1 =	por p1, p2;
	s20 =	sand.u32 $0x7F, s20  }
0x47: {  	s8 =	sand.u32 @!p1 $0x380, s26;
	s31 =	ssub.s32 @!p2 s24, s31;
	_ =	swait.ge @!p2 [sflag:s0], $0x80  }
0x48: {  	s10 =	sand.u32 @!p1 $0x7C00, s26;
	s31 =	sand.u32 @!p2 $0xFF, s31;
	[sflag:s0] =	ssyncset.done @!p2 $0x0  }
0x49: {  	s10 =	sadd.s32 @!p1 s7, s10;
	[sflag:s0] =	ssyncadd.s32 @!p2 $0xFFFFFF80;
	s0 =	sshll.u32 @!p2 s31, $0x7  }
0x4a: {  	[tilespmem:s18], [sflag:$0x1] =	stream.indirect.gather @!p2 [hbm4b:s6+s21], $0x80, s0, s21, $0xb8;
	[tilespmem:$0x1C400] =	vst v63  }
0x4b: {  	s8 =	sor.u32 @!p1 s8, s10;
	s10 =	simm.s32 @!p1 $0x0;
	s0 =	smul.u32 $0x3, s20  }
0x4c: {  	s8 =	sshrl.u32 @!p1 s8, $0x3;
	s18 =	sshrl.u32 s30, $0x9  }
0x4d: {  	s0 =	ssub.s32 s2, s0;
	s2 =	sadd.s32 @!p1 s1, s8;
	s8 =	sadd.s32 @!p1 s3, s8  }
0x4e: {  	s18 =	sand.u32 $0x7F, s18;
	s0 =	sand.u32 $0xFF, s0  }
0x4f: {  	s25 =	sadd.s32 $0x10000, s25;
	s18 =	smul.u32 $0x3, s18;
	s0 =	sshll.u32 @!p1 s0, $0x7  }
0x50: {  	[tilespmem:s0], [sflag:$0x2] =	stream.linear.gather @!p1 [hbm4b:s2+s10], $0x80, $0x38;
	[tilespmem:$0x1C400] =	vst v63  }
.Ltmp0:
0x51: {  	_ = 	snop;
	(pc) =	sbr.rel @p0 .LBB2_2-.Ltmp0, $4  }
0x52: {  	s0 =	sadd.s32 @!p1 $0x200, s0;
	s2 =	ssub.s32 s28, s18;
	s18 =	sadd.s32 $0xFFFF0000, s29  }
0x53: {  	s26 =	sadd.s32 $0x80, s26;
	s2 =	sand.u32 $0xFB, s2;
	s18 =	sand.u32 $0x10000, s18  }
0x54: {  	[tilespmem:s0], [sflag:$0x2] =	stream.linear.gather @!p1 [hbm4b:s8+s10], $0x80, $0x38;
	[tilespmem:$0x1C400] =	vst v63  }
0x55: {  	s30 =	sshrl.u32 s18, $0x2;
	s28 =	sshll.u32 s2, $0x7;
	_ =	swait.ge [sflag:s22], $0x4000  }
0x56: {  	[sflag:s22] =	ssyncset.done $0x0  }
0x57: {  	s0 =	sor.u32 $0x200, s28;
	s2 =	sor.u32 $0x400, s30;
	[sflag:s22] =	ssyncadd.s32 $0xFFFFC000  }
0x58: {  	[spmem:s4] =	stream.indirect.scatter.add.f32 [tilespmem:s2], [sflag:$0x3], $0x80, s0, s19, $0xb8;
	[tilespmem:$0x1C400] =	vst v63  }
0x59: {  	_ =	swait.ge [sflag:s17], $0x4000  }
0x5a: {  	s23 =	sadd.s32 $0x1, s23;
	[sflag:s17] =	ssyncset.done $0x0  }
0x5b: {  	p0 =	sne.s32 s23, s15;
	[sflag:s17] =	ssyncadd.s32 $0xFFFFC000  }
.Ltmp1:
0x5c: {  	[bflag:$0x0] =	sbarrier.arrive $0xFFFF;
	(pc) =	sbr.rel @p0 .LBB2_1-.Ltmp1, $4  }
0x5d: {  	[hbm:s14], [sflag:s9] =	dma.local [spmem:s16], $0x2800  }
0x5e: {  	_ =	swait.ge [sflag:s17], $0x2800  }
0x5f: {  	[sflag:s17] =	ssyncset.done $0x0  }
0x60: {  	[sflag:s17] =	ssyncadd.s32 $0xFFFFD800  }
0x61: {  	_ =	sfence.sel $0x180000  }
0x62: {  	[bflag:$0x0] =	sbarrier.arrive $0xFFFF  }
0x63: {  	_ =	strace $0x90000047  }
0x64: {  	s0 =	stileid.u32;
	[bflag:$0x2] =	sbarrier.arrive $0xFFFF  }
0x65: {  	p0 =	sne.s32 s0, $0x0;
	s0 =	rddreg [dreg:$0x4]  }
0x66: {  	s0 =	sadd.s32 @!p0 $0x100000, s0  }
0x67: {  	[sflag:s0] =	ssyncadd.tile.s32 @!p0 $0x1;
	_ =	shalt  }
.Lfunc_end2:
_tile_overlayer_lowered:
.L_overlay_start_2:
0x68: {  	(tag) =	ssettag $0x2  }
0x69: {  	s0 =	rddreg [dreg:$0x0];
	s2 =	stileid.u32  }
0x6a: {  	s1 =	rddreg [dreg:$0x1];
	p0 =	sne.s32 s2, $0x0  }
0x6b: {  	s3 =	rddreg [dreg:$0x2];
	[bflag:$0x3] =	sbarrier.arrive $0xFFFF;
	s2 =	simm.s32 @!p0 $0x1C03  }
0x6c: {  	[timem:s3], [sflag:s2] =	dma.local @!p0 [hbm:s0], s1  }
0x6d: {  	s0 =	simm.s32 @!p0 $0x3  }
0x6e: {  	_ =	swait.ge @!p0 [sflag:s0], s1  }
0x6f: {  	s1 =	ssub.s32 @!p0 $0x0, s1;
	[sflag:s0] =	ssyncset.done @!p0 $0x0  }
0x70: {  	[sflag:s0] =	ssyncadd.s32 @!p0 s1  }
0x71: {  	[bflag:$0x3] =	sbarrier.arrive $0xFFFF  }
0x72: {  	_ =	shalt  }

// kernel: kernel.13.cloned.1.call-start
scs
__scs_entry_jumppad:
0x0: {  	(pc) =	sbr.rel $0x88, $3  }
0x1: {  	(tag) =	ssettag $0x0;
	lr =	simm.s32 $0x1  }
0x2: {  	[smem:$0x3F9B] =	sst lr;
	_ =	strace $0xD0000000  }
0x3: {  	_ = 	snop  }
0x4: {  	_ = 	snop  }
0x5: {  	_ = 	snop  }
0x6: {  	_ = 	snop  }
0x7: {  	_ = 	snop  }
__scs_overlays_trampoline_lowered:
0x8: {  	[smem:$0x3FAA] =	sst s0  }
0x9: {  	[smem:$0x3FAB] =	sst s1  }
0xa: {  	[smem:$0x3FAC] =	sst s2  }
0xb: {  	[smem:$0x3FAD] =	sst s3  }
0xc: {  	[smem:$0x3FAE] =	sst s4  }
0xd: {  	[smem:$0x3FAF] =	sst s5  }
0xe: {  	[smem:$0x3FB0] =	sst s6  }
0xf: {  	[smem:$0x3FB1] =	sst s7  }
0x10: {  	[smem:$0x3FB2] =	sst s8  }
0x11: {  	[smem:$0x3FB3] =	sst s9;
	s0 =	simm.s32 @!p0 $0x0  }
0x12: {  	s1 =	sld [smem:$0x3F99];
	s0 =	simm.s32 @p0 $0x1  }
0x13: {  	[smem:$0x3FB4] =	sst s0;
	s0 =	simm.s32 @!p1 $0x0  }
0x14: {  	s2 =	sld [smem:$0x3F98];
	s0 =	simm.s32 @p1 $0x1  }
0x15: {  	[smem:$0x3FB5] =	sst s0;
	s0 =	simm.s32 @!p2 $0x0  }
0x16: {  	s3 =	sld [smem:$0x3FDB];
	s0 =	simm.s32 @p2 $0x1  }
0x17: {  	s4 =	simm.s32 $0x1BF5;
	[smem:$0x3FB7] =	sst s0  }
0x18: {  	s0 =	sld [smem:$0x3F9A];
	_ =	swait.ge [sflag:s4], $0x0  }
0x19: {  	s7 =	sld [smem:$0x3F9B]  }
0x1a: {  	s8 =	sadd.s32 $0xFFFFE003, lr  }
0x1b: {  	s9 =	sadd.s32 $0xFFFFFEF7, lr;
	s5 =	simm.s32 $0xFFFFFFFF;
	p2 =	slt.u32 s8, $0xFFFFF086  }
0x1c: {  	p1 =	slt.u32 s9, $0xF7A;
	s5 =	simm.s32 @!p2 $0x0  }
0x1d: {  	s5 =	simm.s32 @p1 $0x1;
	p0 =	seq.s32 s7, s2  }
0x1e: {  	s7 =	smul.u32 @!p0 $0xF7A, s2;
	p2 =	seq.s32 @!p0 s5, $0x0  }
0x1f: {  	s9 =	smul.u32 $0xF7A, s1;
	s8 =	simm.s32 @!p0 $0x1BF5;
	p2 =	por !p2, p0  }
0x20: {  	[sflag:s8] =	ssyncset.s32 @!p0 $0xFFFFF086;
	s6 =	sadd.s32 @!p0 s3, s7;
	s7 =	simm.s32 @!p0 $0x108  }
0x21: {  	s3 =	sadd.s32 s3, s9;
	s6 =	sadd.s32 @!p0 $0x88, s6;
	s7 =	simm.s32 @p2 $0x1082  }
0x22: {  	[simem:s7], [sflag:s8] =	dma.local @!p0 [hbm:s6], $0xF7A  }
0x23: {  	s9 =	sor.u32 $0xD0000000, s2;
	s6 =	simm.s32 $0x108;
	_ =	swait.ge @!p0 [sflag:s8], $0x0  }
0x24: {  	s3 =	sadd.s32 $0x88, s3;
	s6 =	simm.s32 @!p1 $0x1082;
	[sflag:s4] =	ssyncset.s32 $0xFFFFF086  }
0x25: {  	[simem:s6], [sflag:s4] =	dma.local [hbm:s3], $0xF7A  }
0x26: {  	[smem:$0x3F9B] =	sst s1;
	(tag) =	ssettag s2;
	_ =	strace s9  }
0x27: {  	s1 =	sld [smem:$0x3FAB]  }
0x28: {  	s2 =	sld [smem:$0x3FAC]  }
0x29: {  	s4 =	sld [smem:$0x3FAE]  }
0x2a: {  	p0 =	seq.s32 s5, $0x0;
	s5 =	sld [smem:$0x3FAF]  }
0x2b: {  	s6 =	sld [smem:$0x3FB0]  }
0x2c: {  	s7 =	sld [smem:$0x3FB1]  }
0x2d: {  	s3 =	simm.s32 $0x108;
	s8 =	sld [smem:$0x3FB2]  }
0x2e: {  	s3 =	simm.s32 @!p0 $0x1082;
	s9 =	sld [smem:$0x3FB3]  }
0x2f: {  	lr =	sadd.s32 s0, s3;
	s0 =	sld [smem:$0x3FAA]  }
0x30: {  	s3 =	sld [smem:$0x3FAD]  }
0x31: {  	[smem:$0x3FB6] =	sst s10  }
0x32: {  	s10 =	sld [smem:$0x3FB4];
	_ =	sdelay $0x3  }
0x33: {  	p0 =	seq.s32 s10, $0x1;
	s10 =	sld [smem:$0x3FB6];
	_ =	sdelay $0x3  }
0x34: {  	[smem:$0x3FB6] =	sst s10  }
0x35: {  	s10 =	sld [smem:$0x3FB5];
	_ =	sdelay $0x3  }
0x36: {  	p1 =	seq.s32 s10, $0x1;
	s10 =	sld [smem:$0x3FB6];
	_ =	sdelay $0x3  }
0x37: {  	[smem:$0x3FB6] =	sst s10  }
0x38: {  	s10 =	sld [smem:$0x3FB7]  }
0x39: {  	_ = 	snop;
	(pc) =	sbr.ind lr, $3  }
0x3a: {  	_ = 	snop  }
0x3b: {  	_ = 	snop  }
0x3c: {  	p2 =	seq.s32 s10, $0x1;
	s10 =	sld [smem:$0x3FB6]  }
0x3d: {  	_ =	shalt  }
0x3e: {  	_ =	shalt  }
0x3f: {  	_ =	shalt  }
0x40: {  	_ =	shalt  }
0x41: {  	_ =	shalt  }
0x42: {  	_ =	shalt  }
0x43: {  	_ =	shalt  }
0x44: {  	_ =	shalt  }
0x45: {  	_ =	shalt  }
0x46: {  	_ =	shalt  }
0x47: {  	_ =	shalt  }
0x48: {  	_ =	shalt  }
0x49: {  	_ =	shalt  }
0x4a: {  	_ =	shalt  }
0x4b: {  	_ =	shalt  }
0x4c: {  	_ =	shalt  }
0x4d: {  	_ =	shalt  }
0x4e: {  	_ =	shalt  }
0x4f: {  	_ =	shalt  }
0x50: {  	_ =	shalt  }
0x51: {  	_ =	shalt  }
0x52: {  	_ =	shalt  }
0x53: {  	_ =	shalt  }
0x54: {  	_ =	shalt  }
0x55: {  	_ =	shalt  }
0x56: {  	_ =	shalt  }
0x57: {  	_ =	shalt  }
0x58: {  	_ =	shalt  }
0x59: {  	_ =	shalt  }
0x5a: {  	_ =	shalt  }
0x5b: {  	_ =	shalt  }
0x5c: {  	_ =	shalt  }
0x5d: {  	_ =	shalt  }
0x5e: {  	_ =	shalt  }
0x5f: {  	_ =	shalt  }
0x60: {  	_ =	shalt  }
0x61: {  	_ =	shalt  }
0x62: {  	_ =	shalt  }
0x63: {  	_ =	shalt  }
0x64: {  	_ =	shalt  }
0x65: {  	_ =	shalt  }
0x66: {  	_ =	shalt  }
0x67: {  	_ =	shalt  }
0x68: {  	_ =	shalt  }
0x69: {  	_ =	shalt  }
0x6a: {  	_ =	shalt  }
0x6b: {  	_ =	shalt  }
0x6c: {  	_ =	shalt  }
0x6d: {  	_ =	shalt  }
0x6e: {  	_ =	shalt  }
0x6f: {  	_ =	shalt  }
0x70: {  	_ =	shalt  }
0x71: {  	_ =	shalt  }
0x72: {  	_ =	shalt  }
0x73: {  	_ =	shalt  }
0x74: {  	_ =	shalt  }
0x75: {  	_ =	shalt  }
0x76: {  	_ =	shalt  }
0x77: {  	_ =	shalt  }
0x78: {  	_ =	shalt  }
0x79: {  	_ =	shalt  }
0x7a: {  	_ =	shalt  }
0x7b: {  	_ =	shalt  }
0x7c: {  	_ =	shalt  }
0x7d: {  	_ =	shalt  }
0x7e: {  	_ =	shalt  }
0x7f: {  	_ =	shalt  }
0x80: {  	_ =	shalt  }
0x81: {  	_ =	shalt  }
0x82: {  	_ =	shalt  }
0x83: {  	_ =	shalt  }
0x84: {  	_ =	shalt  }
0x85: {  	_ =	shalt  }
0x86: {  	_ =	shalt  }
0x87: {  	_ =	shalt  }
.Lfunc_end0:
.L_simem_size_0:
called_computation.2_lowered:
.L_overlay_start_0:
0x88: {  	s2 =	sld [smem:$0x3FD9]  }
0x89: {  	s3 =	sld [smem:$0x3FFE];
	_ =	sdelay $0x1  }
0x8a: {  	s1 =	srdreg.scid  }
0x8b: {  	s0 =	sand.u32 $0x1, s1  }
0x8c: {  	s14 =	sshll.u32 s0, $0xA;
	s2 =	sadd.s32 s3, s2  }
0x8d: {  	s2 =	sadd.s32 s2, s14  }
0x8e: {  	[smem:$0x3FC2] =	sst s2  }
0x8f: {  	_ = 	snop  }
0x90: {  	s2 =	sld [smem:$0x3FD0];
	_ =	sdelay $0x2  }
0x91: {  	s15 =	simm.s32 $0xB;
	s4 =	simm.s32 $0x10  }
0x92: {  	[smem:s4], [sflag:s15] =	dma.local [hbm:s2], $0x1  }
0x93: {  	_ =	swait.eq [sflag:s15], $0x1  }
0x94: {  	[sflag:s15] =	ssyncset.done $0x0  }
0x95: {  	s16 =	sld [smem:$0x10];
	[sflag:s15] =	ssyncadd.s32 $0xFFFFFFFF  }
0x96: {  	s17 =	sld [smem:$0x11];
	(tm) =	ssettm $0x1  }
0x97: {  	s18 =	sld [smem:$0x3FFB];
	_ =	sdelay $0x3  }
0x98: {  	_ =	strace s18  }
0x99: {  	s4 =	sld [smem:$0x3FFC];
	_ =	sdelay $0x3  }
0x9a: {  	_ =	strace s4  }
0x9b: {  	s4 =	sld [smem:$0x3FFD];
	_ =	sdelay $0x3  }
0x9c: {  	_ =	strace s4  }
0x9d: {  	_ =	strace $0x8FFFFFFF  }
0x9e: {  	s19 =	sld [smem:$0x3FDB];
	_ =	sdelay $0x1  }
0x9f: {  	s5 =	simm.s32 $_scs_section_size  }
0xa0: {  	s6 =	simm.s32 $_size__tile_overlayer_lowered;
	s7 =	simm.s32 $_tile_overlayer_lowered  }
0xa1: {  	s22 =	simm.s32 $0x1BFF;
	s21 =	sshll.u32 s7, $0x1;
	s4 =	sadd.s32 s5, s19  }
0xa2: {  	s8 =	simm.s32 $0x0;
	s20 =	sshll.u32 s6, $0x1;
	s6 =	sadd.s32 s21, s4  }
0xa3: {  	[timem:s8], [sflag:s22] =	dma.local [hbm:s6], s20  }
0xa4: {  	_ =	swait.ge [sflag:s22], s20  }
0xa5: {  	s5 =	ssub.s32 $0x0, s20;
	[sflag:s22] =	ssyncset.done $0x0  }
0xa6: {  	[sflag:s22] =	ssyncadd.s32 s5;
	_ =	sdelay $0x1  }
0xa7: {  	s23 =	simm.s32 $0x1B8B  }
0xa8: {  	_ =	swait.ge [sflag:s23], $0x1  }
0xa9: {  	[sflag:s23] =	ssyncset.done $0x0  }
0xaa: {  	s25 =	simm.s32 $0x1B8E;
	s24 =	sld [smem:$0x3FFE];
	[sflag:s23] =	ssyncadd.s32 $0xFFFFFFFF  }
0xab: {  	s26 =	simm.s32 $execute0_lowered;
	[smem:$0x3FD2] =	sst s25  }
0xac: {  	s6 =	sshll.u32 s26, $0x1;
	_ =	strace $0x8000004C;
	[dreg:$0x1] =	wrdreg $0xFFFFFFFF  }
0xad: {  	s28 =	simm.s32 $_size_execute0_lowered;
	s4 =	sadd.s32 s4, s6;
	[dreg:$0x0] =	wrdreg $0x0  }
0xae: {  	s6 =	sshll.u32 s28, $0x1;
	[dreg:$0x2] =	wrdreg s4  }
0xaf: {  	[dreg:$0x3] =	wrdreg s6  }
0xb0: {  	[dreg:$0x4] =	wrdreg $0xC0  }
0xb1: {  	_ =	task [dreg:s8], $0x5FFFF  }
0xb2: {  	[dreg:$0x1] =	wrdreg $0xFFFFFFFF  }
0xb3: {  	[dreg:$0x0] =	wrdreg $0x60  }
0xb4: {  	[dreg:$0x2] =	wrdreg s17  }
0xb5: {  	[dreg:$0x3] =	wrdreg s16  }
0xb6: {  	[dreg:$0x4] =	wrdreg s24  }
0xb7: {  	[dreg:$0x5] =	wrdreg $0x84000  }
0xb8: {  	[dreg:$0x6] =	wrdreg $0x9  }
0xb9: {  	_ =	task.clear_ibuf [dreg:s8], $0x7FFFF;
	_ =	strace $0x9000004C  }
0xba: {  	s29 =	simm.s32 $0x9;
	_ =	strace $0x8000004E  }
0xbb: {  	_ =	swait.ge [sflag:s29], $0x1  }
0xbc: {  	[sflag:s29] =	ssyncadd.s32 $0xFFFFFFFF  }
0xbd: {  	_ =	strace $0x9000004E  }
0xbe: {  	_ =	sfence  }
0xbf: {  	s30 =	sld [smem:$0x0];
	_ =	sdelay $0x2  }
0xc0: {  	s31 =	sshll.u32 s1, $0xD;
	s1 =	sshrl.u32 s1, $0x2  }
0xc1: {  	s3 =	sand.u32 $0x4000, s31;
	s1 =	sadd.s32 s1, s30  }
0xc2: {  	s0 =	sor.u32 s3, s0;
	s1 =	sshll.u32 s1, $0x11  }
0xc3: {  	s0 =	sor.u32 s1, s0  }
0xc4: {  	s0 =	sadd.s32 $0x8F2B, s0  }
0xc5: {  	[sflag:s0] =	ssyncadd.remote.s32 $0x1  }
0xc6: {  	_ =	sfence.sel $0xFFFF  }
0xc7: {  	[dreg:$0x0] =	wrdreg $0xFFFFFFFF;
	(pc) =	sbr.abs _section_cstart, $3  }
0xc8: {  	[dreg:$0x1] =	wrdreg $0xFFFFFFFF  }
0xc9: {  	_ =	task.clear_ibuf [dreg:s8], $0x2FFFF;
	_ =	strace $0x9FFFFFFF  }
0xca: {  	(tm) =	ssettm $0x7FFFFFFF  }
0xcb: {  	_ =	shalt  }
tec
execute0_lowered:
.L_overlay_start_1:
0x0: {  	(tag) =	ssettag $0x1  }
0x1: {  	s1 =	rddreg [dreg:$0x0]  }
0x2: {  	s3 =	rddreg [dreg:$0x1]  }
0x3: {  	s7 =	rddreg [dreg:$0x2]  }
0x4: {  	s4 =	rddreg [dreg:$0x3]  }
0x5: {  	s0 =	stileid.u32;
	s6 =	srdreg.scid  }
0x6: {  	s5 =	simm.s32 $0x0;
	s17 =	simm.s32 $0x3;
	s19 =	simm.s32 $0x80  }
0x7: {  	s22 =	simm.s32 $0x1;
	s8 =	smul.u32 $0x14000, s0;
	s9 =	sand.u32 $0x1, s6  }
0x8: {  	[smem:$0x7FF] =	sst s5;
	s6 =	sadd.s32 $0x2400, s7;
	s23 =	smul.u32 $0x50000, s0  }
0x9: {  	s12 =	sshll.u32 s0, $0x1;
	s28 =	sshll.u32 s0, $0x6;
	s10 =	smul.u32 $0x140000, s9  }
0xa: {  	_ =	strace $0x8000004D;
	s24 =	ssub.s32 $0x2, s9;
	s25 =	sor.u32 s9, s12  }
0xb: {  	s9 =	sor.u32 $0x1C03, s28;
	s11 =	sshrl.u32 s8, $0x3;
	s26 =	sshrl.u32 s24, $0x1  }
0xc: {  	s11 =	sadd.s32 s11, s7;
	s8 =	sadd.s32 s8, s10;
	s10 =	sshrl.u32 s23, $0x2  }
0xd: {  	s15 =	ssub.s32 s24, s26;
	s23 =	simm.s32 $0x0;
	s8 =	sshrl.u32 s8, $0x3  }
0xe: {  	s29 =	sadd.s32 $0x2A400, s11;
	s14 =	sadd.s32 s8, s7;
	s7 =	smul.u32 $0x2800, s25  }
0xf: {  	s16 =	sadd.s32 s10, s4;
	s15 =	smax.u32 s15, $0x1;
	[dreg:$0x5] =	wrdreg s29  }
0x10: {  	s16 =	sshrl.u32 s16, $0x3;
	s14 =	sadd.s32 $0x52400, s14;
	s30 =	sshrl.u32 s7, $0x3  }
0x11: {  	s31 =	sadd.s32 s1, s30;
	s11 =	sadd.s32 s3, s30;
	s13 =	sor.u32 $0x10, s30  }
0x12: {  	[dreg:$0x6] =	wrdreg s31;
	s12 =	sadd.s32 s1, s13;
	s13 =	sadd.s32 s3, s13  }
.LBB2_1:
0x13: {  	s0 =	rddreg [dreg:$0x5]  }
0x14: {  	[spmem:s16], [sflag:s9] =	dma.local [hbm:s0], $0x2800  }
0x15: {  	_ =	swait.ge [sflag:s17], $0x2800  }
0x16: {  	[sflag:s17] =	ssyncset.done $0x0  }
0x17: {  	[sflag:s17] =	ssyncadd.s32 $0xFFFFD800  }
0x18: {  	[bflag:$0x0] =	sbarrier.arrive $0xFFFF  }
0x19: {  	s8 =	rddreg [dreg:$0x6]  }
0x1a: {  	[tilespmem:s5], [sflag:$0x3] =	stream.linear.gather [hbm4b:s8+s5], $0x80, $0x38;
	[tilespmem:$0x1C400] =	vst v63  }
0x1b: {  	_ =	swait.ge [sflag:s17], $0x80  }
0x1c: {  	[sflag:s17] =	ssyncset.done $0x0  }
0x1d: {  	s10 =	simm.s32 $0x200;
	[sflag:s17] =	ssyncadd.s32 $0xFFFFFF80  }
0x1e: {  	[tilespmem:s10], [sflag:$0x3] =	stream.linear.gather [hbm4b:s11+s5], $0x80, $0x38;
	[tilespmem:$0x1C400] =	vst v63  }
0x1f: {  	s18 =	simm.s32 $0x400;
	s20 =	simm.s32 $0x280;
	_ =	swait.ge [sflag:s17], $0x80  }
0x20: {  	s24 =	simm.s32 $0x1;
	p0 =	por $0x0, $0x0;
	[sflag:s17] =	ssyncset.done $0x0  }
0x21: {  	s25 =	simm.s32 $0x100;
	s28 =	simm.s32 $0x10000;
	[sflag:s17] =	ssyncadd.s32 $0xFFFFFF80  }
0x22: {  	[tilespmem:s18], [sflag:$0x1] =	stream.indirect.gather [hbm4b:s6+s19], $0x80, s5, s19, $0xb8;
	[tilespmem:$0x1C400] =	vst v63  }
0x23: {  	s30 =	simm.s32 $0x2;
	s26 =	smul.u32 @!p0 $0xAB, s24;
	s29 =	simm.s32 @!p0 $0x2  }
0x24: {  	[tilespmem:s19], [sflag:$0x2] =	stream.linear.gather [hbm4b:s12+s5], $0x80, $0x38;
	[tilespmem:$0x1C400] =	vst v63  }
0x25: {  	p1 =	por @!p0 $0x0, $0x0;
	s30 =	smul.u32 $0xAB, s30;
	s26 =	sshrl.u32 @!p0 s26, $0x9  }
0x26: {  	[tilespmem:s20], [sflag:$0x2] =	stream.linear.gather [hbm4b:s13+s5], $0x80, $0x38;
	[tilespmem:$0x1C400] =	vst v63  }
0x27: {  	s28 =	sand.u32 @!p0 $0x10000, s28;
	s26 =	sand.u32 @!p0 $0x7F, s26;
	_ =	swait.ge @!p0 [sflag:s29], $0x80  }
0x28: {  	s28 =	sshrl.u32 @!p0 s28, $0x2;
	s26 =	smul.u32 @!p0 $0x3, s26;
	[sflag:s29] =	ssyncset.done @!p0 $0x0  }
0x29: {  	p1 =	por p1, p0;
	s30 =	sshrl.u32 s30, $0x9;
	[sflag:s29] =	ssyncadd.s32 @!p0 $0xFFFFFF80  }
0x2a: {  	s28 =	sor.u32 @!p0 $0x400, s28;
	s26 =	ssub.s32 @!p0 $0x1, s26;
	_ =	swait.ge @!p0 [sflag:s29], $0x80  }
0x2b: {  	s30 =	sand.u32 $0x7F, s30;
	s26 =	sand.u32 @!p0 $0xFF, s26;
	[sflag:s29] =	ssyncset.done @!p0 $0x0  }
0x2c: {  	s26 =	sshll.u32 @!p0 s26, $0x7;
	[sflag:s29] =	ssyncadd.s32 @!p0 $0xFFFFFF80;
	s29 =	simm.s32 @!p0 $0x80  }
0x2d: {  	[tilespmem:s28], [sflag:$0x1] =	stream.indirect.gather @!p0 [hbm4b:s6+s29], $0x80, s26, s29, $0xb8;
	[tilespmem:$0x1C400] =	vst v63  }
0x2e: {  	s26 =	sand.u32 @!p1 $0x7C00, s25;
	s28 =	smul.u32 $0x3, s30  }
0x2f: {  	s25 =	sand.u32 @!p1 $0x380, s25;
	s26 =	sadd.s32 @!p1 s7, s26  }
0x30: {  	s25 =	sor.u32 @!p1 s25, s26;
	s21 =	ssub.s32 $0x2, s28;
	s28 =	smul.u32 $0xAB, s5  }
0x31: {  	s29 =	simm.s32 @!p1 $0x0;
	s25 =	sshrl.u32 @!p1 s25, $0x3;
	s26 =	sand.u32 $0xFF, s21  }
0x32: {  	s30 =	sadd.s32 @!p1 s1, s25;
	s26 =	sshll.u32 @!p1 s26, $0x7;
	s28 =	sshrl.u32 s28, $0x9  }
0x33: {  	[tilespmem:s26], [sflag:$0x2] =	stream.linear.gather @!p1 [hbm4b:s30+s29], $0x80, $0x38;
	[tilespmem:$0x1C400] =	vst v63  }
0x34: {  	s28 =	sand.u32 $0x7F, s28  }
0x35: {  	s25 =	sadd.s32 @!p1 s3, s25;
	s26 =	sadd.s32 @!p1 $0x200, s26;
	s28 =	smul.u32 $0x3, s28  }
0x36: {  	[tilespmem:s26], [sflag:$0x2] =	stream.linear.gather @!p1 [hbm4b:s25+s29], $0x80, $0x38;
	[tilespmem:$0x1C400] =	vst v63  }
0x37: {  	s25 =	simm.s32 $0x20000;
	s29 =	ssub.s32 $0x0, s28;
	s28 =	simm.s32 $0x0  }
0x38: {  	s26 =	simm.s32 $0x180;
	s31 =	sand.u32 $0xFB, s29;
	s28 =	sand.u32 $0x10000, s28  }
0x39: {  	_ =	swait.ge [sflag:s22], $0x4000;
	s30 =	sshrl.u32 s28, $0x2;
	s28 =	sshll.u32 s31, $0x7  }
.LBB2_2:
0x3a: {  	[sflag:s22] =	ssyncset.done $0x0;
	s31 =	sor.u32 $0x200, s28  }
0x3b: {  	s28 =	smov.u32 s24;
	s24 =	sadd.s32 $0x1, s24;
	s29 =	smov.u32 s25  }
0x3c: {  	s30 =	sor.u32 $0x400, s30;
	p0 =	sne.s32 s24, $0x4F;
	[sflag:s22] =	ssyncadd.s32 $0xFFFFC000  }
0x3d: {  	[spmem:s4] =	stream.indirect.scatter.add.f32 [tilespmem:s30], [sflag:$0x3], $0x80, s31, s19, $0xb8;
	[tilespmem:$0x1C400] =	vst v63  }
0x3e: {  	_ =	swait.ge [sflag:s17], $0x4000  }
0x3f: {  	[sflag:s17] =	ssyncset.done $0x0  }
0x40: {  	p2 =	seq.s32 s28, $0x4E;
	s30 =	smul.u32 $0xAB, s28;
	[sflag:s17] =	ssyncadd.s32 $0xFFFFC000  }
0x41: {  	s31 =	smul.u32 @!p2 $0xAB, s24;
	s0 =	simm.s32 @!p2 $0x2;
	p1 =	sgt.u32 @!p2 s28, $0x4C  }
0x42: {  	s2 =	sadd.s32 $0x2, s28;
	s18 =	sand.u32 @!p2 $0x10000, s25;
	_ =	swait.ge @!p2 [sflag:s0], $0x80  }
0x43: {  	s20 =	smul.u32 $0xAB, s2;
	s31 =	sshrl.u32 @!p2 s31, $0x9;
	[sflag:s0] =	ssyncset.done @!p2 $0x0  }
0x44: {  	s18 =	sshrl.u32 @!p2 s18, $0x2;
	s31 =	sand.u32 @!p2 $0x7F, s31;
	[sflag:s0] =	ssyncadd.s32 @!p2 $0xFFFFFF80  }
0x45: {  	s20 =	sshrl.u32 s20, $0x9;
	s18 =	sor.u32 @!p2 $0x400, s18;
	s31 =	smul.u32 @!p2 $0x3, s31  }
0x46: {  	s21 =	simm.s32 @!p2 $0x80;
	p1 =	por p1, p2;
	s20 =	sand.u32 $0x7F, s20  }
0x47: {  	s8 =	sand.u32 @!p1 $0x380, s26;
	s31 =	ssub.s32 @!p2 s24, s31;
	_ =	swait.ge @!p2 [sflag:s0], $0x80  }
0x48: {  	s10 =	sand.u32 @!p1 $0x7C00, s26;
	s31 =	sand.u32 @!p2 $0xFF, s31;
	[sflag:s0] =	ssyncset.done @!p2 $0x0  }
0x49: {  	s10 =	sadd.s32 @!p1 s7, s10;
	[sflag:s0] =	ssyncadd.s32 @!p2 $0xFFFFFF80;
	s0 =	sshll.u32 @!p2 s31, $0x7  }
0x4a: {  	[tilespmem:s18], [sflag:$0x1] =	stream.indirect.gather @!p2 [hbm4b:s6+s21], $0x80, s0, s21, $0xb8;
	[tilespmem:$0x1C400] =	vst v63  }
0x4b: {  	s8 =	sor.u32 @!p1 s8, s10;
	s10 =	simm.s32 @!p1 $0x0;
	s0 =	smul.u32 $0x3, s20  }
0x4c: {  	s8 =	sshrl.u32 @!p1 s8, $0x3;
	s18 =	sshrl.u32 s30, $0x9  }
0x4d: {  	s0 =	ssub.s32 s2, s0;
	s2 =	sadd.s32 @!p1 s1, s8;
	s8 =	sadd.s32 @!p1 s3, s8  }
0x4e: {  	s18 =	sand.u32 $0x7F, s18;
	s0 =	sand.u32 $0xFF, s0  }
0x4f: {  	s25 =	sadd.s32 $0x10000, s25;
	s18 =	smul.u32 $0x3, s18;
	s0 =	sshll.u32 @!p1 s0, $0x7  }
0x50: {  	[tilespmem:s0], [sflag:$0x2] =	stream.linear.gather @!p1 [hbm4b:s2+s10], $0x80, $0x38;
	[tilespmem:$0x1C400] =	vst v63  }
.Ltmp0:
0x51: {  	_ = 	snop;
	(pc) =	sbr.rel @p0 .LBB2_2-.Ltmp0, $4  }
0x52: {  	s0 =	sadd.s32 @!p1 $0x200, s0;
	s2 =	ssub.s32 s28, s18;
	s18 =	sadd.s32 $0xFFFF0000, s29  }
0x53: {  	s26 =	sadd.s32 $0x80, s26;
	s2 =	sand.u32 $0xFB, s2;
	s18 =	sand.u32 $0x10000, s18  }
0x54: {  	[tilespmem:s0], [sflag:$0x2] =	stream.linear.gather @!p1 [hbm4b:s8+s10], $0x80, $0x38;
	[tilespmem:$0x1C400] =	vst v63  }
0x55: {  	s30 =	sshrl.u32 s18, $0x2;
	s28 =	sshll.u32 s2, $0x7;
	_ =	swait.ge [sflag:s22], $0x4000  }
0x56: {  	[sflag:s22] =	ssyncset.done $0x0  }
0x57: {  	s0 =	sor.u32 $0x200, s28;
	s2 =	sor.u32 $0x400, s30;
	[sflag:s22] =	ssyncadd.s32 $0xFFFFC000  }
0x58: {  	[spmem:s4] =	stream.indirect.scatter.add.f32 [tilespmem:s2], [sflag:$0x3], $0x80, s0, s19, $0xb8;
	[tilespmem:$0x1C400] =	vst v63  }
0x59: {  	_ =	swait.ge [sflag:s17], $0x4000  }
0x5a: {  	s23 =	sadd.s32 $0x1, s23;
	[sflag:s17] =	ssyncset.done $0x0  }
0x5b: {  	p0 =	sne.s32 s23, s15;
	[sflag:s17] =	ssyncadd.s32 $0xFFFFC000  }
.Ltmp1:
0x5c: {  	[bflag:$0x0] =	sbarrier.arrive $0xFFFF;
	(pc) =	sbr.rel @p0 .LBB2_1-.Ltmp1, $4  }
0x5d: {  	[hbm:s14], [sflag:s9] =	dma.local [spmem:s16], $0x2800  }
0x5e: {  	_ =	swait.ge [sflag:s17], $0x2800  }
0x5f: {  	[sflag:s17] =	ssyncset.done $0x0  }
0x60: {  	[sflag:s17] =	ssyncadd.s32 $0xFFFFD800  }
0x61: {  	_ =	sfence.sel $0x180000  }
0x62: {  	[bflag:$0x0] =	sbarrier.arrive $0xFFFF  }
0x63: {  	_ =	strace $0x9000004D  }
0x64: {  	s0 =	stileid.u32;
	[bflag:$0x2] =	sbarrier.arrive $0xFFFF  }
0x65: {  	p0 =	sne.s32 s0, $0x0;
	s0 =	rddreg [dreg:$0x4]  }
0x66: {  	s0 =	sadd.s32 @!p0 $0x100000, s0  }
0x67: {  	[sflag:s0] =	ssyncadd.tile.s32 @!p0 $0x1;
	_ =	shalt  }
.Lfunc_end2:
_tile_overlayer_lowered:
.L_overlay_start_2:
0x68: {  	(tag) =	ssettag $0x2  }
0x69: {  	s0 =	rddreg [dreg:$0x0];
	s2 =	stileid.u32  }
0x6a: {  	s1 =	rddreg [dreg:$0x1];
	p0 =	sne.s32 s2, $0x0  }
0x6b: {  	s3 =	rddreg [dreg:$0x2];
	[bflag:$0x3] =	sbarrier.arrive $0xFFFF;
	s2 =	simm.s32 @!p0 $0x1C03  }
0x6c: {  	[timem:s3], [sflag:s2] =	dma.local @!p0 [hbm:s0], s1  }
0x6d: {  	s0 =	simm.s32 @!p0 $0x3  }
0x6e: {  	_ =	swait.ge @!p0 [sflag:s0], s1  }
0x6f: {  	s1 =	ssub.s32 @!p0 $0x0, s1;
	[sflag:s0] =	ssyncset.done @!p0 $0x0  }
0x70: {  	[sflag:s0] =	ssyncadd.s32 @!p0 s1  }
0x71: {  	[bflag:$0x3] =	sbarrier.arrive $0xFFFF  }
0x72: {  	_ =	shalt  }

// kernel: kernel.7.cloned.1.call-start
scs
__scs_entry_jumppad:
0x0: {  	(pc) =	sbr.rel $0x88, $3  }
0x1: {  	(tag) =	ssettag $0x0;
	lr =	simm.s32 $0x1  }
0x2: {  	[smem:$0x3F9B] =	sst lr;
	_ =	strace $0xD0000000  }
0x3: {  	_ = 	snop  }
0x4: {  	_ = 	snop  }
0x5: {  	_ = 	snop  }
0x6: {  	_ = 	snop  }
0x7: {  	_ = 	snop  }
__scs_overlays_trampoline_lowered:
0x8: {  	[smem:$0x3FAA] =	sst s0  }
0x9: {  	[smem:$0x3FAB] =	sst s1  }
0xa: {  	[smem:$0x3FAC] =	sst s2  }
0xb: {  	[smem:$0x3FAD] =	sst s3  }
0xc: {  	[smem:$0x3FAE] =	sst s4  }
0xd: {  	[smem:$0x3FAF] =	sst s5  }
0xe: {  	[smem:$0x3FB0] =	sst s6  }
0xf: {  	[smem:$0x3FB1] =	sst s7  }
0x10: {  	[smem:$0x3FB2] =	sst s8  }
0x11: {  	[smem:$0x3FB3] =	sst s9;
	s0 =	simm.s32 @!p0 $0x0  }
0x12: {  	s1 =	sld [smem:$0x3F99];
	s0 =	simm.s32 @p0 $0x1  }
0x13: {  	[smem:$0x3FB4] =	sst s0;
	s0 =	simm.s32 @!p1 $0x0  }
0x14: {  	s2 =	sld [smem:$0x3F98];
	s0 =	simm.s32 @p1 $0x1  }
0x15: {  	[smem:$0x3FB5] =	sst s0;
	s0 =	simm.s32 @!p2 $0x0  }
0x16: {  	s3 =	sld [smem:$0x3FDB];
	s0 =	simm.s32 @p2 $0x1  }
0x17: {  	s4 =	simm.s32 $0x1BF5;
	[smem:$0x3FB7] =	sst s0  }
0x18: {  	s0 =	sld [smem:$0x3F9A];
	_ =	swait.ge [sflag:s4], $0x0  }
0x19: {  	s7 =	sld [smem:$0x3F9B]  }
0x1a: {  	s8 =	sadd.s32 $0xFFFFE003, lr  }
0x1b: {  	s9 =	sadd.s32 $0xFFFFFEF7, lr;
	s5 =	simm.s32 $0xFFFFFFFF;
	p2 =	slt.u32 s8, $0xFFFFF086  }
0x1c: {  	p1 =	slt.u32 s9, $0xF7A;
	s5 =	simm.s32 @!p2 $0x0  }
0x1d: {  	s5 =	simm.s32 @p1 $0x1;
	p0 =	seq.s32 s7, s2  }
0x1e: {  	s7 =	smul.u32 @!p0 $0xF7A, s2;
	p2 =	seq.s32 @!p0 s5, $0x0  }
0x1f: {  	s9 =	smul.u32 $0xF7A, s1;
	s8 =	simm.s32 @!p0 $0x1BF5;
	p2 =	por !p2, p0  }
0x20: {  	[sflag:s8] =	ssyncset.s32 @!p0 $0xFFFFF086;
	s6 =	sadd.s32 @!p0 s3, s7;
	s7 =	simm.s32 @!p0 $0x108  }
0x21: {  	s3 =	sadd.s32 s3, s9;
	s6 =	sadd.s32 @!p0 $0x88, s6;
	s7 =	simm.s32 @p2 $0x1082  }
0x22: {  	[simem:s7], [sflag:s8] =	dma.local @!p0 [hbm:s6], $0xF7A  }
0x23: {  	s9 =	sor.u32 $0xD0000000, s2;
	s6 =	simm.s32 $0x108;
	_ =	swait.ge @!p0 [sflag:s8], $0x0  }
0x24: {  	s3 =	sadd.s32 $0x88, s3;
	s6 =	simm.s32 @!p1 $0x1082;
	[sflag:s4] =	ssyncset.s32 $0xFFFFF086  }
0x25: {  	[simem:s6], [sflag:s4] =	dma.local [hbm:s3], $0xF7A  }
0x26: {  	[smem:$0x3F9B] =	sst s1;
	(tag) =	ssettag s2;
	_ =	strace s9  }
0x27: {  	s1 =	sld [smem:$0x3FAB]  }
0x28: {  	s2 =	sld [smem:$0x3FAC]  }
0x29: {  	s4 =	sld [smem:$0x3FAE]  }
0x2a: {  	p0 =	seq.s32 s5, $0x0;
	s5 =	sld [smem:$0x3FAF]  }
0x2b: {  	s6 =	sld [smem:$0x3FB0]  }
0x2c: {  	s7 =	sld [smem:$0x3FB1]  }
0x2d: {  	s3 =	simm.s32 $0x108;
	s8 =	sld [smem:$0x3FB2]  }
0x2e: {  	s3 =	simm.s32 @!p0 $0x1082;
	s9 =	sld [smem:$0x3FB3]  }
0x2f: {  	lr =	sadd.s32 s0, s3;
	s0 =	sld [smem:$0x3FAA]  }
0x30: {  	s3 =	sld [smem:$0x3FAD]  }
0x31: {  	[smem:$0x3FB6] =	sst s10  }
0x32: {  	s10 =	sld [smem:$0x3FB4];
	_ =	sdelay $0x3  }
0x33: {  	p0 =	seq.s32 s10, $0x1;
	s10 =	sld [smem:$0x3FB6];
	_ =	sdelay $0x3  }
0x34: {  	[smem:$0x3FB6] =	sst s10  }
0x35: {  	s10 =	sld [smem:$0x3FB5];
	_ =	sdelay $0x3  }
0x36: {  	p1 =	seq.s32 s10, $0x1;
	s10 =	sld [smem:$0x3FB6];
	_ =	sdelay $0x3  }
0x37: {  	[smem:$0x3FB6] =	sst s10  }
0x38: {  	s10 =	sld [smem:$0x3FB7]  }
0x39: {  	_ = 	snop;
	(pc) =	sbr.ind lr, $3  }
0x3a: {  	_ = 	snop  }
0x3b: {  	_ = 	snop  }
0x3c: {  	p2 =	seq.s32 s10, $0x1;
	s10 =	sld [smem:$0x3FB6]  }
0x3d: {  	_ =	shalt  }
0x3e: {  	_ =	shalt  }
0x3f: {  	_ =	shalt  }
0x40: {  	_ =	shalt  }
0x41: {  	_ =	shalt  }
0x42: {  	_ =	shalt  }
0x43: {  	_ =	shalt  }
0x44: {  	_ =	shalt  }
0x45: {  	_ =	shalt  }
0x46: {  	_ =	shalt  }
0x47: {  	_ =	shalt  }
0x48: {  	_ =	shalt  }
0x49: {  	_ =	shalt  }
0x4a: {  	_ =	shalt  }
0x4b: {  	_ =	shalt  }
0x4c: {  	_ =	shalt  }
0x4d: {  	_ =	shalt  }
0x4e: {  	_ =	shalt  }
0x4f: {  	_ =	shalt  }
0x50: {  	_ =	shalt  }
0x51: {  	_ =	shalt  }
0x52: {  	_ =	shalt  }
0x53: {  	_ =	shalt  }
0x54: {  	_ =	shalt  }
0x55: {  	_ =	shalt  }
0x56: {  	_ =	shalt  }
0x57: {  	_ =	shalt  }
0x58: {  	_ =	shalt  }
0x59: {  	_ =	shalt  }
0x5a: {  	_ =	shalt  }
0x5b: {  	_ =	shalt  }
0x5c: {  	_ =	shalt  }
0x5d: {  	_ =	shalt  }
0x5e: {  	_ =	shalt  }
0x5f: {  	_ =	shalt  }
0x60: {  	_ =	shalt  }
0x61: {  	_ =	shalt  }
0x62: {  	_ =	shalt  }
0x63: {  	_ =	shalt  }
0x64: {  	_ =	shalt  }
0x65: {  	_ =	shalt  }
0x66: {  	_ =	shalt  }
0x67: {  	_ =	shalt  }
0x68: {  	_ =	shalt  }
0x69: {  	_ =	shalt  }
0x6a: {  	_ =	shalt  }
0x6b: {  	_ =	shalt  }
0x6c: {  	_ =	shalt  }
0x6d: {  	_ =	shalt  }
0x6e: {  	_ =	shalt  }
0x6f: {  	_ =	shalt  }
0x70: {  	_ =	shalt  }
0x71: {  	_ =	shalt  }
0x72: {  	_ =	shalt  }
0x73: {  	_ =	shalt  }
0x74: {  	_ =	shalt  }
0x75: {  	_ =	shalt  }
0x76: {  	_ =	shalt  }
0x77: {  	_ =	shalt  }
0x78: {  	_ =	shalt  }
0x79: {  	_ =	shalt  }
0x7a: {  	_ =	shalt  }
0x7b: {  	_ =	shalt  }
0x7c: {  	_ =	shalt  }
0x7d: {  	_ =	shalt  }
0x7e: {  	_ =	shalt  }
0x7f: {  	_ =	shalt  }
0x80: {  	_ =	shalt  }
0x81: {  	_ =	shalt  }
0x82: {  	_ =	shalt  }
0x83: {  	_ =	shalt  }
0x84: {  	_ =	shalt  }
0x85: {  	_ =	shalt  }
0x86: {  	_ =	shalt  }
0x87: {  	_ =	shalt  }
.Lfunc_end0:
.L_simem_size_0:
called_computation_lowered:
.L_overlay_start_0:
0x88: {  	s2 =	sld [smem:$0x3FD9]  }
0x89: {  	s3 =	sld [smem:$0x3FFE];
	_ =	sdelay $0x1  }
0x8a: {  	s1 =	srdreg.scid  }
0x8b: {  	s0 =	sand.u32 $0x1, s1  }
0x8c: {  	s15 =	sshll.u32 s0, $0xA;
	s2 =	sadd.s32 s3, s2  }
0x8d: {  	s2 =	sadd.s32 s2, s15  }
0x8e: {  	[smem:$0x3FC2] =	sst s2  }
0x8f: {  	_ = 	snop  }
0x90: {  	s2 =	sld [smem:$0x3FD0];
	_ =	sdelay $0x2  }
0x91: {  	s16 =	simm.s32 $0xB;
	s4 =	simm.s32 $0x10  }
0x92: {  	[smem:s4], [sflag:s16] =	dma.local [hbm:s2], $0x1  }
0x93: {  	_ =	swait.eq [sflag:s16], $0x1  }
0x94: {  	[sflag:s16] =	ssyncset.done $0x0  }
0x95: {  	[sflag:s16] =	ssyncadd.s32 $0xFFFFFFFF  }
0x96: {  	s17 =	sld [smem:$0x10];
	(tm) =	ssettm $0x1  }
0x97: {  	s18 =	sld [smem:$0x3FFB];
	_ =	sdelay $0x3  }
0x98: {  	_ =	strace s18  }
0x99: {  	s2 =	sld [smem:$0x3FFC];
	_ =	sdelay $0x3  }
0x9a: {  	_ =	strace s2  }
0x9b: {  	s2 =	sld [smem:$0x3FFD];
	_ =	sdelay $0x3  }
0x9c: {  	_ =	strace s2  }
0x9d: {  	_ =	strace $0x8FFFFFFF  }
0x9e: {  	s19 =	sld [smem:$0x3FDB];
	_ =	sdelay $0x1  }
0x9f: {  	s20 =	simm.s32 $_scs_section_size  }
0xa0: {  	s5 =	simm.s32 $_size__tile_overlayer_lowered;
	s6 =	simm.s32 $_tile_overlayer_lowered  }
0xa1: {  	s7 =	simm.s32 $0x1BFF;
	s21 =	sshll.u32 s6, $0x1;
	s4 =	sadd.s32 s20, s19  }
0xa2: {  	s22 =	simm.s32 $0x0;
	s5 =	sshll.u32 s5, $0x1;
	s6 =	sadd.s32 s21, s4  }
0xa3: {  	[timem:s22], [sflag:s7] =	dma.local [hbm:s6], s5  }
0xa4: {  	_ =	swait.ge [sflag:s7], s5  }
0xa5: {  	s5 =	ssub.s32 $0x0, s5;
	[sflag:s7] =	ssyncset.done $0x0  }
0xa6: {  	[sflag:s7] =	ssyncadd.s32 s5;
	_ =	sdelay $0x1  }
0xa7: {  	s23 =	simm.s32 $0x1B8B  }
0xa8: {  	_ =	swait.ge [sflag:s23], $0x1  }
0xa9: {  	[sflag:s23] =	ssyncset.done $0x0  }
0xaa: {  	[sflag:s23] =	ssyncadd.s32 $0xFFFFFFFF  }
0xab: {  	s5 =	sld [smem:$0x0]  }
0xac: {  	s6 =	sand.u32 $0xFFFFFFFE, s1  }
0xad: {  	p0 =	sne.s32 s1, s6  }
0xae: {  	s6 =	sshll.u32 @p0 s6, $0xE  }
0xaf: {  	s6 =	sadd.s32 @p0 $0x11B8D, s6;
	s7 =	sshll.u32 @p0 s5, $0x11  }
0xb0: {  	s6 =	sor.u32 @p0 s7, s6  }
0xb1: {  	[sflag:s6] =	ssyncadd.remote.s32 @p0 $0x1;
	_ =	sdelay $0x1  }
0xb2: {  	s6 =	simm.s32 @p0 $0x1B8D  }
0xb3: {  	_ =	swait.eq @p0 [sflag:s6], $0x1  }
0xb4: {  	[sflag:s6] =	ssyncadd.s32 @p0 $0xFFFFFFFF  }
0xb5: {  	s7 =	sshll.u32 @!p0 s1, $0xE  }
0xb6: {  	s7 =	sor.u32 @!p0 $0x4000, s7;
	s6 =	simm.s32 @!p0 $0x1B8D  }
0xb7: {  	s5 =	sshll.u32 @!p0 s5, $0x11;
	s7 =	sadd.s32 @!p0 $0x11B8D, s7;
	_ =	swait.eq @!p0 [sflag:s6], $0x1  }
0xb8: {  	s5 =	sor.u32 @!p0 s5, s7;
	[sflag:s6] =	ssyncadd.s32 @!p0 $0xFFFFFFFF  }
0xb9: {  	s25 =	simm.s32 $0x1B8E;
	s24 =	sld [smem:$0x3FFE];
	[sflag:s5] =	ssyncadd.remote.s32 @!p0 $0x1  }
0xba: {  	s26 =	simm.s32 $execute0_lowered;
	[smem:$0x3FD2] =	sst s25  }
0xbb: {  	s6 =	sshll.u32 s26, $0x1;
	_ =	strace $0x80000049;
	[dreg:$0x1] =	wrdreg $0xFFFFFFFF  }
0xbc: {  	s28 =	simm.s32 $_size_execute0_lowered;
	s4 =	sadd.s32 s4, s6;
	[dreg:$0x0] =	wrdreg $0x0  }
0xbd: {  	s6 =	sshll.u32 s28, $0x1;
	[dreg:$0x2] =	wrdreg s4  }
0xbe: {  	[dreg:$0x3] =	wrdreg s6  }
0xbf: {  	[dreg:$0x4] =	wrdreg $0xC0  }
0xc0: {  	_ =	task [dreg:s22], $0x5FFFF  }
0xc1: {  	[dreg:$0x1] =	wrdreg $0xFFFFFFFF  }
0xc2: {  	[dreg:$0x0] =	wrdreg $0x60  }
0xc3: {  	[dreg:$0x2] =	wrdreg s17  }
0xc4: {  	[dreg:$0x3] =	wrdreg s24  }
0xc5: {  	[dreg:$0x4] =	wrdreg $0x68000  }
0xc6: {  	[dreg:$0x5] =	wrdreg $0x9  }
0xc7: {  	_ =	task.clear_ibuf [dreg:s22], $0x6FFFF;
	_ =	strace $0x90000049  }
0xc8: {  	s29 =	simm.s32 $0x9;
	_ =	strace $0x8000004B  }
0xc9: {  	_ =	swait.ge [sflag:s29], $0x1  }
0xca: {  	[sflag:s29] =	ssyncadd.s32 $0xFFFFFFFF  }
0xcb: {  	_ =	strace $0x9000004B  }
0xcc: {  	_ =	sfence  }
0xcd: {  	s30 =	sld [smem:$0x0];
	_ =	sdelay $0x2  }
0xce: {  	s31 =	sshll.u32 s1, $0xD;
	s1 =	sshrl.u32 s1, $0x2  }
0xcf: {  	s4 =	sand.u32 $0x4000, s31;
	s1 =	sadd.s32 s1, s30  }
0xd0: {  	s0 =	sor.u32 s4, s0;
	s1 =	sshll.u32 s1, $0x11  }
0xd1: {  	s0 =	sor.u32 s1, s0  }
0xd2: {  	s0 =	sadd.s32 $0x8F2B, s0  }
0xd3: {  	[sflag:s0] =	ssyncadd.remote.s32 $0x1  }
0xd4: {  	_ =	sfence.sel $0xFFFF  }
0xd5: {  	[dreg:$0x0] =	wrdreg $0xFFFFFFFF;
	(pc) =	sbr.abs _section_cstart, $3  }
0xd6: {  	[dreg:$0x1] =	wrdreg $0xFFFFFFFF  }
0xd7: {  	_ =	task.clear_ibuf [dreg:s22], $0x2FFFF;
	_ =	strace $0x9FFFFFFF  }
0xd8: {  	(tm) =	ssettm $0x7FFFFFFF  }
0xd9: {  	_ =	shalt  }
tec
execute0_lowered:
.L_overlay_start_1:
0x0: {  	(tag) =	ssettag $0x1  }
0x1: {  	s5 =	rddreg [dreg:$0x0]  }
0x2: {  	s6 =	rddreg [dreg:$0x1]  }
0x3: {  	s2 =	rddreg [dreg:$0x2]  }
0x4: {  	s0 =	stileid.u32;
	s4 =	srdreg.scid  }
0x5: {  	s1 =	rddreg [dreg:$0x3];
	s3 =	simm.s32 $0x0;
	s13 =	simm.s32 $0x80  }
0x6: {  	s14 =	simm.s32 $0x0;
	s7 =	smul.u32 $0x14000, s0;
	s8 =	sand.u32 $0x1, s4  }
0x7: {  	[smem:$0x7FF] =	sst s3;
	s4 =	sadd.s32 $0xA2400, s6;
	s28 =	smul.u32 $0x50000, s0  }
0x8: {  	s26 =	sshll.u32 s0, $0x1;
	s31 =	sshll.u32 s0, $0x6;
	s9 =	smul.u32 $0x140000, s8  }
0x9: {  	_ =	strace $0x8000004A;
	s11 =	ssub.s32 $0x2, s8;
	s8 =	sor.u32 s8, s26  }
0xa: {  	s25 =	sshrl.u32 s7, $0x3;
	s12 =	sshrl.u32 s11, $0x1;
	s8 =	smul.u32 $0x500, s8  }
0xb: {  	s29 =	sshrl.u32 s28, $0x2;
	s10 =	sadd.s32 s25, s6;
	s7 =	sadd.s32 s7, s9  }
0xc: {  	s11 =	ssub.s32 s11, s12;
	s30 =	sadd.s32 s29, s2;
	s9 =	simm.s32 $0x1  }
0xd: {  	s7 =	sshrl.u32 s7, $0x3;
	s5 =	sadd.s32 s5, s8;
	s8 =	smax.u32 s11, $0x1  }
0xe: {  	s11 =	sor.u32 $0x1C01, s31;
	s12 =	sshrl.u32 s30, $0x3;
	s7 =	sadd.s32 s7, s6  }
0xf: {  	s6 =	sadd.s32 $0x2A400, s10;
	s10 =	simm.s32 $0x2800;
	s7 =	sadd.s32 $0xA2C00, s7  }
.LBB2_1:
0x10: {  	[tilespmem:s3], [sflag:$0x1] =	stream.linear.gather [hbm4b:s5+s3], $0x2780, $0x38;
	[tilespmem:$0x1A800] =	vst v63  }
0x11: {  	_ =	swait.ge [sflag:s9], $0x2780  }
0x12: {  	[sflag:s9] =	ssyncset.done $0x0  }
0x13: {  	[sflag:s9] =	ssyncadd.s32 $0xFFFFD880  }
0x14: {  	[tilespmem:s10], [sflag:$0x1] =	stream.linear.gather [hbm4b:s4+s3], $0x4000, $0x38;
	[tilespmem:$0x1A800] =	vst v63  }
0x15: {  	_ =	swait.ge [sflag:s9], $0x4000  }
0x16: {  	[sflag:s9] =	ssyncset.done $0x0  }
0x17: {  	[sflag:s9] =	ssyncadd.s32 $0xFFFFC000  }
0x18: {  	[spmem:s12], [sflag:s11] =	dma.local [hbm:s6], $0x2800  }
0x19: {  	_ =	swait.ge [sflag:s9], $0x2800  }
0x1a: {  	[sflag:s9] =	ssyncset.done $0x0  }
0x1b: {  	[sflag:s9] =	ssyncadd.s32 $0xFFFFD800  }
0x1c: {  	s15 =	simm.s32 $0x0;
	[bflag:$0x0] =	sbarrier.arrive $0xFFFF  }
0x1d: {  	[spmem:s2] =	stream.indirect.scatter.add.f32 [tilespmem:s10], [sflag:$0x1], $0x80, s15, s13, $0xb8;
	[tilespmem:$0x1A800] =	vst v63  }
0x1e: {  	_ =	swait.ge [sflag:s9], $0x4000  }
0x1f: {  	s15 =	simm.s32 $0x200;
	[sflag:s9] =	ssyncset.done $0x0  }
.LBB2_2:
0x20: {  	s16 =	sshra.s32 s15, $0x2;
	[sflag:s9] =	ssyncadd.s32 $0xFFFFC000;
	p0 =	sne.s32 s15, $0x9C00  }
0x21: {  	[spmem:s2] =	stream.indirect.scatter.add.f32 [tilespmem:s10], [sflag:$0x1], $0x80, s16, s13, $0xb8;
	[tilespmem:$0x1A800] =	vst v63  }
.Ltmp0:
0x22: {  	_ = 	snop;
	(pc) =	sbr.rel @p0 .LBB2_2-.Ltmp0, $4  }
0x23: {  	_ = 	snop  }
0x24: {  	s15 =	sadd.s32 $0x200, s15  }
0x25: {  	_ =	swait.ge [sflag:s9], $0x4000  }
0x26: {  	[sflag:s9] =	ssyncset.done $0x0  }
0x27: {  	s14 =	sadd.s32 $0x1, s14  }
0x28: {  	[sflag:s9] =	ssyncadd.s32 $0xFFFFC000;
	p0 =	sne.s32 s14, s8  }
.Ltmp1:
0x29: {  	[bflag:$0x0] =	sbarrier.arrive $0xFFFF;
	(pc) =	sbr.rel @p0 .LBB2_1-.Ltmp1, $4  }
0x2a: {  	[hbm:s7], [sflag:s11] =	dma.local [spmem:s12], $0x2800  }
0x2b: {  	_ =	swait.ge [sflag:s9], $0x2800  }
0x2c: {  	[sflag:s9] =	ssyncset.done $0x0  }
0x2d: {  	[sflag:s9] =	ssyncadd.s32 $0xFFFFD800  }
0x2e: {  	_ =	sfence.sel $0x180000  }
0x2f: {  	[bflag:$0x0] =	sbarrier.arrive $0xFFFF  }
0x30: {  	p0 =	sne.s32 s0, $0x0;
	_ =	strace $0x9000004A  }
0x31: {  	s0 =	sadd.s32 @!p0 $0x100000, s1;
	[bflag:$0x2] =	sbarrier.arrive $0xFFFF  }
0x32: {  	[sflag:s0] =	ssyncadd.tile.s32 @!p0 $0x1;
	_ =	shalt  }
.Lfunc_end2:
_tile_overlayer_lowered:
.L_overlay_start_2:
0x33: {  	(tag) =	ssettag $0x2  }
0x34: {  	s0 =	rddreg [dreg:$0x0];
	s2 =	stileid.u32  }
0x35: {  	s1 =	rddreg [dreg:$0x1];
	p0 =	sne.s32 s2, $0x0  }
0x36: {  	s3 =	rddreg [dreg:$0x2];
	[bflag:$0x3] =	sbarrier.arrive $0xFFFF;
	s2 =	simm.s32 @!p0 $0x1C01  }
0x37: {  	[timem:s3], [sflag:s2] =	dma.local @!p0 [hbm:s0], s1  }
0x38: {  	s0 =	simm.s32 @!p0 $0x1  }
0x39: {  	_ =	swait.ge @!p0 [sflag:s0], s1  }
0x3a: {  	s1 =	ssub.s32 @!p0 $0x0, s1;
	[sflag:s0] =	ssyncset.done @!p0 $0x0  }
0x3b: {  	[sflag:s0] =	ssyncadd.s32 @!p0 s1  }
0x3c: {  	[bflag:$0x3] =	sbarrier.arrive $0xFFFF  }
0x3d: {  	_ =	shalt  }

</sc_bundles>
